<compile_context>
chip_gen: v7x
topology: tpu7x:2x2x1
jax: 0.10.2.dev20260603
libtpu: 0.0.44.dev20260713+nightly
codegen_flags: <defaults>
</compile_context>

<pallas_src>
import functools

import jax
import jax.numpy as jnp
from jax import lax
from jax.experimental import pallas as pl
from jax.experimental.pallas import tpu as pltpu
from jax.experimental.pallas import tpu_sc as plsc

F32 = jnp.float32


_BLK = 2000


def _zrow(zr, r):
    mask = lax.broadcasted_iota(jnp.int32, (zr.shape[0], 1), 0) == r
    return jnp.sum(jnp.where(mask, zr, 0.0), axis=0, keepdims=True)


def _pack_bf16(y):
    return y


def _embed_body(hidx, x_ref, w1_ref, b1_ref, corr_ref, w2_ref, b2_ref,
                zr_ref, o_ref, y_ref):
    b = pl.program_id(0)
    i = pl.program_id(1)
    r = pl.program_id(2)

    @pl.when(r == 0)
    def _():
        xb = x_ref[0]
        t = jnp.dot(xb, w1_ref[...], preferred_element_type=F32) + b1_ref[...]
        rows = (lax.broadcasted_iota(jnp.int32, (xb.shape[0], 1), 0)
                + i * xb.shape[0])
        t = t + jnp.where(rows == hidx[b], 1.0, 0.0) * corr_ref[...]
        t = jnp.maximum(t, 0.0)
        o_ref[0] = jnp.dot(t, w2_ref[...], preferred_element_type=F32) \
            + b2_ref[...]

    y_ref[0, 0] = _pack_bf16(_zrow(zr_ref[0], r) * o_ref[0])


def _embed(x, h_index, w1a, b1, corr, w2, b2, zr):
    B, V, D = x.shape
    R = zr.shape[1]
    nb = V // _BLK
    full = lambda a: pl.BlockSpec(a.shape, lambda b, i, r: (0,) * a.ndim)
    return pl.pallas_call(
        _embed_body,
        grid=(B, nb, R),
        in_specs=[
            pl.BlockSpec(memory_space=pltpu.SMEM),
            pl.BlockSpec((1, _BLK, D), lambda b, i, r: (b, i, 0)),
            full(w1a), full(b1), full(corr), full(w2), full(b2),
            pl.BlockSpec((1, R, D), lambda b, i, r: (b, 0, 0)),
        ],
        out_specs=[
            pl.BlockSpec((1, _BLK, D), lambda b, i, r: (b, i, 0)),
            pl.BlockSpec((1, 1, _BLK, D), lambda b, i, r: (b, r, i, 0)),
        ],
        out_shape=[jax.ShapeDtypeStruct((B, V, D), F32),
                   jax.ShapeDtypeStruct((B, R, V, D), F32)],
    )(h_index, x, w1a, b1, corr, w2, b2, zr)


def _zr_body(z_ref, w0_ref, b0_ref, w1_ref, b1_ref, o0_ref, o1_ref):
    z = z_ref[...]
    o0_ref[...] = jnp.dot(z, w0_ref[...], preferred_element_type=F32) + b0_ref[...]
    o1_ref[...] = jnp.dot(z, w1_ref[...], preferred_element_type=F32) + b1_ref[...]


def _zr(z, w0, b0, w1, b1):
    B, D = z.shape
    RD = w0.shape[1]
    out = jax.ShapeDtypeStruct((B, RD), F32)
    return pl.pallas_call(_zr_body, out_shape=[out, out])(z, w0, b0, w1, b1)


def _post_block(agg_ref, vx_ref, w1_ref, b1_ref, w2_ref, b2_ref, beta_ref,
                g_ref, bb_ref):
    vx = vx_ref[0]
    h = agg_ref[0] + beta_ref[...] * vx
    m = jnp.maximum(jnp.dot(h, w1_ref[...], preferred_element_type=F32)
                    + b1_ref[...], 0.0)
    h2 = jnp.dot(m, w2_ref[...], preferred_element_type=F32) + b2_ref[...]
    mu = jnp.mean(h2, axis=-1, keepdims=True)
    var = jnp.mean((h2 - mu) ** 2, axis=-1, keepdims=True)
    ln = (h2 - mu) / jnp.sqrt(var + 1e-5) * g_ref[...] + bb_ref[...]
    return ln + vx


def _post_body(agg_ref, vx_ref, w1_ref, b1_ref, w2_ref, b2_ref, beta_ref,
               g_ref, bb_ref, o_ref):
    o_ref[0] = _post_block(agg_ref, vx_ref, w1_ref, b1_ref, w2_ref, b2_ref,
                           beta_ref, g_ref, bb_ref)


def _post(agg, vx, w1, b1, w2, b2, beta, g, bb):
    B, V, D = vx.shape
    nb = V // _BLK
    full = lambda a: pl.BlockSpec(a.shape, lambda b, i: (0,) * a.ndim)
    blk = pl.BlockSpec((1, _BLK, D), lambda b, i: (b, i, 0))
    return pl.pallas_call(
        _post_body,
        grid=(B, nb),
        in_specs=[blk, blk, full(w1), full(b1), full(w2), full(b2),
                  full(beta), full(g), full(bb)],
        out_specs=blk,
        out_shape=jax.ShapeDtypeStruct((B, V, D), F32),
    )(agg, vx, w1, b1, w2, b2, beta, g, bb)


def _post_y_body(agg_ref, vx_ref, w1_ref, b1_ref, w2_ref, b2_ref, beta_ref,
                 g_ref, bb_ref, zr_ref, o_ref, y_ref):
    r = pl.program_id(2)

    @pl.when(r == 0)
    def _():
        o_ref[0] = _post_block(agg_ref, vx_ref, w1_ref, b1_ref, w2_ref,
                               b2_ref, beta_ref, g_ref, bb_ref)

    y_ref[0, 0] = _pack_bf16(_zrow(zr_ref[0], r) * o_ref[0])


def _post_y(agg, vx, w1, b1, w2, b2, beta, g, bb, zr):
    B, V, D = vx.shape
    R = zr.shape[1]
    nb = V // _BLK
    full = lambda a: pl.BlockSpec(a.shape, lambda b, i, r: (0,) * a.ndim)
    blk = pl.BlockSpec((1, _BLK, D), lambda b, i, r: (b, i, 0))
    return pl.pallas_call(
        _post_y_body,
        grid=(B, nb, R),
        in_specs=[blk, blk, full(w1), full(b1), full(w2), full(b2),
                  full(beta), full(g), full(bb),
                  pl.BlockSpec((1, R, D), lambda b, i, r: (b, 0, 0))],
        out_specs=[blk,
                   pl.BlockSpec((1, 1, _BLK, D),
                                lambda b, i, r: (b, r, i, 0))],
        out_shape=[jax.ShapeDtypeStruct((B, V, D), F32),
                   jax.ShapeDtypeStruct((B, R, V, D), F32)],
    )(agg, vx, w1, b1, w2, b2, beta, g, bb, zr)



_NC, _NS, _L = 2, 16, 16
_K = 80


@functools.cache
def _rspmm(B, V, D, R, E):
    ept = E // _NS
    nch = ept // _K
    assert ept * _NS == E and nch * _K == ept
    vpt = -(-V // (_NS * 8)) * 8
    vp = vpt * _NS
    mesh = plsc.VectorSubcoreMesh(core_axis_name="c", subcore_axis_name="s",
                                  num_cores=_NC, num_subcores=_NS)

    npairs = nch // 2
    assert npairs * 2 == nch

    def body(y_hbm, idx_hbm, zero_hbm, out_hbm,
             acc, idx0, idx1, comb0, comb1, rows0, rows1,
             semx0, semx1, sem0, sem1):
        c = lax.axis_index("c")
        s = lax.axis_index("s")
        boff = c * (R * V)
        ch0 = s * nch

        def idx_load(i, buf, sem):
            pltpu.async_copy(idx_hbm.at[ch0 + i], buf, sem)

        def idx_wait(buf, sem):
            pltpu.make_async_copy(idx_hbm.at[0], buf, sem).wait()

        def stage(buf, comb_v):
            for j in range(_K // _L):
                sl = pl.ds(j * _L, _L)
                comb_v[sl] = buf[1, sl] * V + buf[0, sl] + boff

        def gather(comb_v, rows_v, sem):
            pltpu.async_copy(y_hbm.at[comb_v], rows_v, sem)

        def gather_wait(comb_v, rows_v, sem):
            pltpu.make_async_copy(y_hbm.at[comb_v], rows_v, sem).wait()

        def scatter(rows_v, buf):
            pltpu.sync_copy(rows_v, acc.at[buf.at[2]], add=True)

        idx_load(0, idx0, semx0)
        idx_load(1, idx1, semx1)
        pltpu.sync_copy(zero_hbm.at[pl.ds(s * vpt, vpt)],
                        acc.at[pl.ds(s * vpt, vpt)])
        plsc.subcore_barrier()
        idx_wait(idx0, semx0)
        stage(idx0, comb0)
        gather(comb0, rows0, sem0)

        @pl.loop(0, npairs)
        def _pair(h):
            i0 = h * 2
            last = h >= npairs - 1
            idx_wait(idx1, semx1)
            stage(idx1, comb1)
            gather(comb1, rows1, sem1)
            gather_wait(comb0, rows0, sem0)
            scatter(rows0, idx0)

            @pl.when(jnp.logical_not(last))
            def _():
                idx_load(i0 + 2, idx0, semx0)

            @pl.when(jnp.logical_not(last))
            def _():
                idx_wait(idx0, semx0)
                stage(idx0, comb0)
                gather(comb0, rows0, sem0)
            gather_wait(comb1, rows1, sem1)
            scatter(rows1, idx1)

            @pl.when(jnp.logical_not(last))
            def _():
                idx_load(i0 + 3, idx1, semx1)

        plsc.subcore_barrier()
        pltpu.sync_copy(acc.at[pl.ds(s * vpt, vpt)],
                        out_hbm.at[pl.ds(c * vp + s * vpt, vpt)])

    return pl.kernel(
        body,
        out_type=jax.ShapeDtypeStruct((B * vp, D), F32),
        mesh=mesh,
        scratch_types=[
            pltpu.VMEM_SHARED((vp, D), F32),
            pltpu.VMEM((3, _K), jnp.int32),
            pltpu.VMEM((3, _K), jnp.int32),
            pltpu.VMEM((_K,), jnp.int32),
            pltpu.VMEM((_K,), jnp.int32),
            pltpu.VMEM((_K, D), F32),
            pltpu.VMEM((_K, D), F32),
            pltpu.SemaphoreType.DMA,
            pltpu.SemaphoreType.DMA,
            pltpu.SemaphoreType.DMA,
            pltpu.SemaphoreType.DMA,
        ],
    )



def kernel(x, z, h_index, r_index, edge_src, edge_type, edge_dst,
           fcvx_w1, fcvx_b1, fcvx_w2, fcvx_b2,
           l0_fcz_w, l0_fcz_b, l0_fco_w1, l0_fco_b1, l0_fco_w2, l0_fco_b2,
           l0_beta, l0_ln_g, l0_ln_b,
           l1_fcz_w, l1_fcz_b, l1_fco_w1, l1_fco_b1, l1_fco_w2, l1_fco_b2,
           l1_beta, l1_ln_g, l1_ln_b):
    B, V, D = x.shape
    R = l0_fcz_w.shape[1] // D
    E = edge_src.shape[0]

    row = lambda a: a.reshape(1, -1)

    zr0, zr1 = _zr(z, l0_fcz_w, row(l0_fcz_b), l1_fcz_w, row(l1_fcz_b))
    zr0 = zr0.reshape(B, R, D)
    zr1 = zr1.reshape(B, R, D)

    corr = row(jnp.sum(fcvx_w1[D:], axis=0))
    vx, y0 = _embed(x, h_index.astype(jnp.int32), fcvx_w1[:D], row(fcvx_b1),
                    corr, fcvx_w2, row(fcvx_b2), zr0)

    vp = -(-V // (_NS * 8)) * 8 * _NS
    zero = jnp.zeros((vp, D), F32)
    grain = _NS * 2 * _K
    ep = -(-E // grain) * grain
    pad = ep - E
    ipad = lambda a, val: jnp.concatenate(
        [a.astype(jnp.int32), jnp.full((pad,), val, jnp.int32)])
    packed = jnp.stack(
        [ipad(edge_src, 0).reshape(-1, _K),
         ipad(edge_type, 0).reshape(-1, _K),
         ipad(edge_dst, vp - 1).reshape(-1, _K)], axis=1)
    rspmm = _rspmm(B, V, D, R, ep)

    agg = rspmm(y0.reshape(B * R * V, D), packed, zero) \
        .reshape(B, vp, D)[:, :V]
    vx, y1 = _post_y(agg, vx, l0_fco_w1, row(l0_fco_b1), l0_fco_w2,
                     row(l0_fco_b2), l0_beta, row(l0_ln_g), row(l0_ln_b), zr1)
    agg = rspmm(y1.reshape(B * R * V, D), packed, zero) \
        .reshape(B, vp, D)[:, :V]
    return _post(agg, vx, l1_fco_w1, row(l1_fco_b1), l1_fco_w2,
                 row(l1_fco_b2), l1_beta, row(l1_ln_g), row(l1_ln_b))

# --- scband reference (transcript-rebuilt; emitter-appended) ---
"""Pipeline reference for scband-dual-layer-40802189312723 (READ-ONLY COPY).

The authoritative reference and input builder live on the scoring server;
editing this copy changes nothing except your own understanding.
"""

import jax, jax.numpy as jnp
import numpy as np

B, V, D, R, E = 2, 10000, 128, 16, 320000

def setup_inputs(seed: int = 0):
    key = jax.random.key(seed)
    ks = jax.random.split(key, 32)
    s = 0.02
    inp = {}
    inp['x'] = jax.random.normal(ks[0], (B, V, D), dtype=jnp.float32)
    inp['z'] = jax.random.normal(ks[1], (B, D), dtype=jnp.float32)
    inp['h_index'] = jax.random.randint(ks[2], (B,), 0, V)
    inp['r_index'] = jax.random.randint(ks[3], (B,), 0, R)
    inp['edge_src'] = jax.random.randint(ks[4], (E,), 0, V)
    inp['edge_type'] = jax.random.randint(ks[5], (E,), 0, R)
    inp['edge_dst'] = jax.random.randint(ks[6], (E,), 0, V)
    inp['fcvx_w1'] = jax.random.normal(ks[7], (2 * D, D), dtype=jnp.float32) * s
    inp['fcvx_b1'] = jnp.zeros((D,), dtype=jnp.float32)
    inp['fcvx_w2'] = jax.random.normal(ks[8], (D, D), dtype=jnp.float32) * s
    inp['fcvx_b2'] = jnp.zeros((D,), dtype=jnp.float32)
    for l in range(2):
        base = 10 + 8 * l
        inp['l%d_fcz_w' % l] = jax.random.normal(ks[base], (D, D * R), dtype=jnp.float32) * s
        inp['l%d_fcz_b' % l] = jnp.zeros((D * R,), dtype=jnp.float32)
        inp['l%d_fco_w1' % l] = jax.random.normal(ks[base + 1], (D, D), dtype=jnp.float32) * s
        inp['l%d_fco_b1' % l] = jnp.zeros((D,), dtype=jnp.float32)
        inp['l%d_fco_w2' % l] = jax.random.normal(ks[base + 2], (D, D), dtype=jnp.float32) * s
        inp['l%d_fco_b2' % l] = jnp.zeros((D,), dtype=jnp.float32)
        inp['l%d_beta' % l] = jax.random.normal(ks[base + 3], (1, D), dtype=jnp.float32)
        inp['l%d_ln_g' % l] = jnp.ones((D,), dtype=jnp.float32)
        inp['l%d_ln_b' % l] = jnp.zeros((D,), dtype=jnp.float32)
    return inp

def _layer_norm(h, g, b):
    m = h.mean(-1, keepdims=True)
    v = ((h - m) ** 2).mean(-1, keepdims=True)
    return (h - m) / jnp.sqrt(v + 1e-5) * g + b

def _v_layer(x, z, edge_src, edge_type, edge_dst, fcz_w, fcz_b, fco_w1, fco_b1, fco_w2, fco_b2, beta, ln_g, ln_b):
    b, v, d = x.shape
    zr = (z @ fcz_w + fcz_b).reshape(b, R, d)
    rel_flat = jnp.transpose(zr, (1, 0, 2)).reshape(R, b * d)
    x_flat = jnp.transpose(x, (1, 0, 2)).reshape(v, b * d)
    msg = jnp.take(rel_flat, edge_type, axis=0) * jnp.take(x_flat, edge_src, axis=0)
    out = jax.ops.segment_sum(msg, edge_dst, num_segments=v)
    out = jnp.transpose(out.reshape(v, b, d), (1, 0, 2))
    h = out + beta * x
    h = jnp.maximum(h @ fco_w1 + fco_b1, 0.0) @ fco_w2 + fco_b2
    h = _layer_norm(h, ln_g, ln_b)
    return h + x

def reference(x, z, h_index, r_index, edge_src, edge_type, edge_dst, fcvx_w1, fcvx_b1, fcvx_w2, fcvx_b2, l0_fcz_w, l0_fcz_b, l0_fco_w1, l0_fco_b1, l0_fco_w2, l0_fco_b2, l0_beta, l0_ln_g, l0_ln_b, l1_fcz_w, l1_fcz_b, l1_fco_w1, l1_fco_b1, l1_fco_w2, l1_fco_b2, l1_beta, l1_ln_g, l1_ln_b):
    b, v, d = x.shape
    onehot = jnp.zeros((b, v, d), dtype=x.dtype).at[jnp.arange(b), h_index].set(1.0)
    vx = jnp.concatenate([x, onehot], axis=-1)
    vx = jnp.maximum(vx @ fcvx_w1 + fcvx_b1, 0.0) @ fcvx_w2 + fcvx_b2
    vx = _v_layer(vx, z, edge_src, edge_type, edge_dst, l0_fcz_w, l0_fcz_b, l0_fco_w1, l0_fco_b1, l0_fco_w2, l0_fco_b2, l0_beta, l0_ln_g, l0_ln_b)
    vx = _v_layer(vx, z, edge_src, edge_type, edge_dst, l1_fcz_w, l1_fcz_b, l1_fco_w1, l1_fco_b1, l1_fco_w2, l1_fco_b2, l1_beta, l1_ln_g, l1_ln_b)
    return vx

if __name__ == "__main__":
    import jax
    _d = setup_inputs()
    print(jax.jit(kernel)(*tuple(_d.values())))

</pallas_src>

<mosaic_0001>
#map = affine_map<(d0, d1) -> (0, 0)>
#map1 = affine_map<(d0, d1) -> (0, 0, 0)>
module attributes {stable_mosaic.version = 14 : i64} {
  func.func @body(%arg0: i32, %arg1: i32, %arg2: memref<320000x128xf32, #tpu.memory_space<hbm>>, %arg3: memref<4000x3x80xi32, #tpu.memory_space<hbm>>, %arg4: memref<10112x128xf32, #tpu.memory_space<hbm>>, %arg5: memref<20224x128xf32, #tpu.memory_space<hbm>>, %arg6: memref<10112x128xf32, #tpu.memory_space<vmem_shared>>, %arg7: memref<3x80xi32, #tpu.memory_space<vmem>>, %arg8: memref<3x80xi32, #tpu.memory_space<vmem>>, %arg9: memref<80xi32, #tpu.memory_space<vmem>>, %arg10: memref<80xi32, #tpu.memory_space<vmem>>, %arg11: memref<80x128xf32, #tpu.memory_space<vmem>>, %arg12: memref<80x128xf32, #tpu.memory_space<vmem>>, %arg13: memref<!tpu.dma_semaphore, #tpu.memory_space<semaphore_mem>>, %arg14: memref<!tpu.dma_semaphore, #tpu.memory_space<semaphore_mem>>, %arg15: memref<!tpu.dma_semaphore, #tpu.memory_space<semaphore_mem>>, %arg16: memref<!tpu.dma_semaphore, #tpu.memory_space<semaphore_mem>>) attributes {dimension_semantics = [#tpu.dimension_semantics<core_parallel>, #tpu.dimension_semantics<subcore_parallel>], iteration_bounds = array<i64: 2, 16>, scalar_prefetch = 0 : i64, scratch_operands = 11 : i64, tpu.core_type = #tpu.core_type<sc_vector_subcore>, window_params = [{transform_indices = #map}, {transform_indices = #map1}, {transform_indices = #map}, {transform_indices = #map}]} {
    %mul3A = arith.constant 160000 : i32
    %mul3A_0 = arith.muli %arg0, %mul3A : i32
    %mul3A_1 = arith.constant 250 : i32
    %mul3A_2 = arith.muli %arg1, %mul3A_1 : i32
    %add3A = arith.constant 0 : i32
    %add3A_3 = arith.addi %mul3A_2, %add3A : i32
    %dma_start3A = arith.constant 0 : i32
    %dma_start3A_4 = arith.constant 0 : i32
    %dma_start3A_5 = tpu.memref_slice %arg3[%add3A_3, %dma_start3A, %dma_start3A_4] : memref<4000x3x80xi32, #tpu.memory_space<hbm>> -> memref<1x3x80xi32, #tpu.memory_space<hbm>>
    %dma_start3A_6 = tpu.memref_squeeze %dma_start3A_5 : memref<1x3x80xi32, #tpu.memory_space<hbm>> -> memref<3x80xi32, #tpu.memory_space<hbm>>
    %dma_start3A_7 = arith.constant 0 : i32
    %dma_start3A_8 = arith.constant 0 : i32
    %dma_start3A_9 = tpu.memref_slice %arg3[%add3A_3, %dma_start3A_7, %dma_start3A_8] : memref<4000x3x80xi32, #tpu.memory_space<hbm>> -> memref<1x3x80xi32, #tpu.memory_space<hbm>>
    %dma_start3A_10 = tpu.memref_squeeze %dma_start3A_9 : memref<1x3x80xi32, #tpu.memory_space<hbm>> -> memref<3x80xi32, #tpu.memory_space<hbm>>
    tpu.enqueue_dma source(%dma_start3A_10 : memref<3x80xi32, #tpu.memory_space<hbm>>) target(%arg7 : memref<3x80xi32, #tpu.memory_space<vmem>>) target_semaphore(%arg13 : memref<!tpu.dma_semaphore, #tpu.memory_space<semaphore_mem>>)
    %add3A_11 = arith.constant 1 : i32
    %add3A_12 = arith.addi %mul3A_2, %add3A_11 : i32
    %dma_start3A_13 = arith.constant 0 : i32
    %dma_start3A_14 = arith.constant 0 : i32
    %dma_start3A_15 = tpu.memref_slice %arg3[%add3A_12, %dma_start3A_13, %dma_start3A_14] : memref<4000x3x80xi32, #tpu.memory_space<hbm>> -> memref<1x3x80xi32, #tpu.memory_space<hbm>>
    %dma_start3A_16 = tpu.memref_squeeze %dma_start3A_15 : memref<1x3x80xi32, #tpu.memory_space<hbm>> -> memref<3x80xi32, #tpu.memory_space<hbm>>
    %dma_start3A_17 = arith.constant 0 : i32
    %dma_start3A_18 = arith.constant 0 : i32
    %dma_start3A_19 = tpu.memref_slice %arg3[%add3A_12, %dma_start3A_17, %dma_start3A_18] : memref<4000x3x80xi32, #tpu.memory_space<hbm>> -> memref<1x3x80xi32, #tpu.memory_space<hbm>>
    %dma_start3A_20 = tpu.memref_squeeze %dma_start3A_19 : memref<1x3x80xi32, #tpu.memory_space<hbm>> -> memref<3x80xi32, #tpu.memory_space<hbm>>
    tpu.enqueue_dma source(%dma_start3A_20 : memref<3x80xi32, #tpu.memory_space<hbm>>) target(%arg8 : memref<3x80xi32, #tpu.memory_space<vmem>>) target_semaphore(%arg14 : memref<!tpu.dma_semaphore, #tpu.memory_space<semaphore_mem>>)
    %mul3A_21 = arith.constant 632 : i32
    %mul3A_22 = arith.muli %arg1, %mul3A_21 : i32
    %mul3A_23 = arith.constant 632 : i32
    %mul3A_24 = arith.muli %arg1, %mul3A_23 : i32
    "tpu.region"() ({
      %run_scoped3A = tpu.sem_alloc : memref<!tpu.dma_semaphore, #tpu.memory_space<semaphore_mem>>
      %dma_start3A_146 = arith.constant 0 : i32
      %dma_start3A_147 = tpu.memref_slice %arg6[%mul3A_24, %dma_start3A_146] : memref<10112x128xf32, #tpu.memory_space<vmem_shared>> -> memref<632x128xf32, #tpu.memory_space<vmem_shared>>
      %dma_start3A_148 = arith.constant 0 : i32
      %dma_start3A_149 = tpu.memref_slice %arg4[%mul3A_22, %dma_start3A_148] : memref<10112x128xf32, #tpu.memory_space<hbm>> -> memref<632x128xf32, #tpu.memory_space<hbm>>
      tpu.enqueue_dma source(%dma_start3A_149 : memref<632x128xf32, #tpu.memory_space<hbm>>) target(%dma_start3A_147 : memref<632x128xf32, #tpu.memory_space<vmem_shared>>) target_semaphore(%run_scoped3A : memref<!tpu.dma_semaphore, #tpu.memory_space<semaphore_mem>>)
      %dma_wait3A_150 = arith.constant 0 : i32
      %dma_wait3A_151 = tpu.memref_slice %arg6[%mul3A_24, %dma_wait3A_150] : memref<10112x128xf32, #tpu.memory_space<vmem_shared>> -> memref<632x128xf32, #tpu.memory_space<vmem_shared>>
      %dma_wait3A_152 = arith.constant 0 : i32
      %dma_wait3A_153 = tpu.memref_slice %arg4[%mul3A_22, %dma_wait3A_152] : memref<10112x128xf32, #tpu.memory_space<hbm>> -> memref<632x128xf32, #tpu.memory_space<hbm>>
      tpu.wait_dma2 semaphore(%run_scoped3A : memref<!tpu.dma_semaphore, #tpu.memory_space<semaphore_mem>>) src(%dma_wait3A_153 : memref<632x128xf32, #tpu.memory_space<hbm>>) dst(%dma_wait3A_151 : memref<632x128xf32, #tpu.memory_space<vmem_shared>>)
      tpu.yield
    }) : () -> ()
    %barrier3A = arith.constant 0 : index
    tpu.barrier barrier_id(%barrier3A)
    %dma_wait3A = arith.constant 0 : i32
    %dma_wait3A_25 = arith.constant 0 : i32
    %dma_wait3A_26 = arith.constant 0 : i32
    %dma_wait3A_27 = tpu.memref_slice %arg3[%dma_wait3A, %dma_wait3A_25, %dma_wait3A_26] : memref<4000x3x80xi32, #tpu.memory_space<hbm>> -> memref<1x3x80xi32, #tpu.memory_space<hbm>>
    %dma_wait3A_28 = tpu.memref_squeeze %dma_wait3A_27 : memref<1x3x80xi32, #tpu.memory_space<hbm>> -> memref<3x80xi32, #tpu.memory_space<hbm>>
    %dma_wait3A_29 = arith.constant 0 : i32
    %dma_wait3A_30 = arith.constant 0 : i32
    %dma_wait3A_31 = tpu.memref_slice %arg3[%dma_wait3A, %dma_wait3A_29, %dma_wait3A_30] : memref<4000x3x80xi32, #tpu.memory_space<hbm>> -> memref<1x3x80xi32, #tpu.memory_space<hbm>>
    %dma_wait3A_32 = tpu.memref_squeeze %dma_wait3A_31 : memref<1x3x80xi32, #tpu.memory_space<hbm>> -> memref<3x80xi32, #tpu.memory_space<hbm>>
    tpu.wait_dma2 semaphore(%arg13 : memref<!tpu.dma_semaphore, #tpu.memory_space<semaphore_mem>>) src(%dma_wait3A_32 : memref<3x80xi32, #tpu.memory_space<hbm>>) dst(%arg7 : memref<3x80xi32, #tpu.memory_space<vmem>>)
    %get3A = arith.constant 1 : i32
    %get3A_33 = arith.index_cast %get3A : i32 to index
    %get3A_34 = arith.constant 0 : index
    %get3A_35 = tpu.vector_load %arg7[%get3A_33, %get3A_34] {strides = array<i32>} : memref<3x80xi32, #tpu.memory_space<vmem>>, vector<1x16xi32>,
    %get3A_36 = vector.shape_cast %get3A_35 : vector<1x16xi32> to vector<16xi32>
    %mul3A_37 = arith.constant 10000 : i32
    %mul3A_38 = vector.broadcast %mul3A_37 : i32 to vector<16xi32>
    %mul3A_39 = arith.muli %get3A_36, %mul3A_38 : vector<16xi32>
    %get3A_40 = arith.constant 0 : i32
    %get3A_41 = arith.index_cast %get3A_40 : i32 to index
    %get3A_42 = arith.constant 0 : index
    %get3A_43 = tpu.vector_load %arg7[%get3A_41, %get3A_42] {strides = array<i32>} : memref<3x80xi32, #tpu.memory_space<vmem>>, vector<1x16xi32>,
    %get3A_44 = vector.shape_cast %get3A_43 : vector<1x16xi32> to vector<16xi32>
    %add3A_45 = arith.addi %mul3A_39, %get3A_44 : vector<16xi32>
    %add3A_46 = vector.broadcast %mul3A_0 : i32 to vector<16xi32>
    %add3A_47 = arith.addi %add3A_45, %add3A_46 : vector<16xi32>
    %swap3A = arith.constant 0 : index
    %swap3A_48 = tpu.vector_load %arg9[%swap3A] {strides = array<i32>} : memref<80xi32, #tpu.memory_space<vmem>>, vector<16xi32>,
    %swap3A_49 = vector.shape_cast %swap3A_48 : vector<16xi32> to vector<16xi32>
    %swap3A_50 = vector.shape_cast %add3A_47 : vector<16xi32> to vector<16xi32>
    tpu.vector_store %arg9[%swap3A], %swap3A_50 {strides = array<i32>} : memref<80xi32, #tpu.memory_space<vmem>>, vector<16xi32>,
    %get3A_51 = arith.constant 1 : i32
    %get3A_52 = arith.index_cast %get3A_51 : i32 to index
    %get3A_53 = arith.constant 16 : index
    %get3A_54 = tpu.vector_load %arg7[%get3A_52, %get3A_53] {strides = array<i32>} : memref<3x80xi32, #tpu.memory_space<vmem>>, vector<1x16xi32>,
    %get3A_55 = vector.shape_cast %get3A_54 : vector<1x16xi32> to vector<16xi32>
    %mul3A_56 = arith.constant 10000 : i32
    %mul3A_57 = vector.broadcast %mul3A_56 : i32 to vector<16xi32>
    %mul3A_58 = arith.muli %get3A_55, %mul3A_57 : vector<16xi32>
    %get3A_59 = arith.constant 0 : i32
    %get3A_60 = arith.index_cast %get3A_59 : i32 to index
    %get3A_61 = arith.constant 16 : index
    %get3A_62 = tpu.vector_load %arg7[%get3A_60, %get3A_61] {strides = array<i32>} : memref<3x80xi32, #tpu.memory_space<vmem>>, vector<1x16xi32>,
    %get3A_63 = vector.shape_cast %get3A_62 : vector<1x16xi32> to vector<16xi32>
    %add3A_64 = arith.addi %mul3A_58, %get3A_63 : vector<16xi32>
    %add3A_65 = vector.broadcast %mul3A_0 : i32 to vector<16xi32>
    %add3A_66 = arith.addi %add3A_64, %add3A_65 : vector<16xi32>
    %swap3A_67 = arith.constant 16 : index
    %swap3A_68 = tpu.vector_load %arg9[%swap3A_67] {strides = array<i32>} : memref<80xi32, #tpu.memory_space<vmem>>, vector<16xi32>,
    %swap3A_69 = vector.shape_cast %swap3A_68 : vector<16xi32> to vector<16xi32>
    %swap3A_70 = vector.shape_cast %add3A_66 : vector<16xi32> to vector<16xi32>
    tpu.vector_store %arg9[%swap3A_67], %swap3A_70 {strides = array<i32>} : memref<80xi32, #tpu.memory_space<vmem>>, vector<16xi32>,
    %get3A_71 = arith.constant 1 : i32
    %get3A_72 = arith.index_cast %get3A_71 : i32 to index
    %get3A_73 = arith.constant 32 : index
    %get3A_74 = tpu.vector_load %arg7[%get3A_72, %get3A_73] {strides = array<i32>} : memref<3x80xi32, #tpu.memory_space<vmem>>, vector<1x16xi32>,
    %get3A_75 = vector.shape_cast %get3A_74 : vector<1x16xi32> to vector<16xi32>
    %mul3A_76 = arith.constant 10000 : i32
    %mul3A_77 = vector.broadcast %mul3A_76 : i32 to vector<16xi32>
    %mul3A_78 = arith.muli %get3A_75, %mul3A_77 : vector<16xi32>
    %get3A_79 = arith.constant 0 : i32
    %get3A_80 = arith.index_cast %get3A_79 : i32 to index
    %get3A_81 = arith.constant 32 : index
    %get3A_82 = tpu.vector_load %arg7[%get3A_80, %get3A_81] {strides = array<i32>} : memref<3x80xi32, #tpu.memory_space<vmem>>, vector<1x16xi32>,
    %get3A_83 = vector.shape_cast %get3A_82 : vector<1x16xi32> to vector<16xi32>
    %add3A_84 = arith.addi %mul3A_78, %get3A_83 : vector<16xi32>
    %add3A_85 = vector.broadcast %mul3A_0 : i32 to vector<16xi32>
    %add3A_86 = arith.addi %add3A_84, %add3A_85 : vector<16xi32>
    %swap3A_87 = arith.constant 32 : index
    %swap3A_88 = tpu.vector_load %arg9[%swap3A_87] {strides = array<i32>} : memref<80xi32, #tpu.memory_space<vmem>>, vector<16xi32>,
    %swap3A_89 = vector.shape_cast %swap3A_88 : vector<16xi32> to vector<16xi32>
    %swap3A_90 = vector.shape_cast %add3A_86 : vector<16xi32> to vector<16xi32>
    tpu.vector_store %arg9[%swap3A_87], %swap3A_90 {strides = array<i32>} : memref<80xi32, #tpu.memory_space<vmem>>, vector<16xi32>,
    %get3A_91 = arith.constant 1 : i32
    %get3A_92 = arith.index_cast %get3A_91 : i32 to index
    %get3A_93 = arith.constant 48 : index
    %get3A_94 = tpu.vector_load %arg7[%get3A_92, %get3A_93] {strides = array<i32>} : memref<3x80xi32, #tpu.memory_space<vmem>>, vector<1x16xi32>,
    %get3A_95 = vector.shape_cast %get3A_94 : vector<1x16xi32> to vector<16xi32>
    %mul3A_96 = arith.constant 10000 : i32
    %mul3A_97 = vector.broadcast %mul3A_96 : i32 to vector<16xi32>
    %mul3A_98 = arith.muli %get3A_95, %mul3A_97 : vector<16xi32>
    %get3A_99 = arith.constant 0 : i32
    %get3A_100 = arith.index_cast %get3A_99 : i32 to index
    %get3A_101 = arith.constant 48 : index
    %get3A_102 = tpu.vector_load %arg7[%get3A_100, %get3A_101] {strides = array<i32>} : memref<3x80xi32, #tpu.memory_space<vmem>>, vector<1x16xi32>,
    %get3A_103 = vector.shape_cast %get3A_102 : vector<1x16xi32> to vector<16xi32>
    %add3A_104 = arith.addi %mul3A_98, %get3A_103 : vector<16xi32>
    %add3A_105 = vector.broadcast %mul3A_0 : i32 to vector<16xi32>
    %add3A_106 = arith.addi %add3A_104, %add3A_105 : vector<16xi32>
    %swap3A_107 = arith.constant 48 : index
    %swap3A_108 = tpu.vector_load %arg9[%swap3A_107] {strides = array<i32>} : memref<80xi32, #tpu.memory_space<vmem>>, vector<16xi32>,
    %swap3A_109 = vector.shape_cast %swap3A_108 : vector<16xi32> to vector<16xi32>
    %swap3A_110 = vector.shape_cast %add3A_106 : vector<16xi32> to vector<16xi32>
    tpu.vector_store %arg9[%swap3A_107], %swap3A_110 {strides = array<i32>} : memref<80xi32, #tpu.memory_space<vmem>>, vector<16xi32>,
    %get3A_111 = arith.constant 1 : i32
    %get3A_112 = arith.index_cast %get3A_111 : i32 to index
    %get3A_113 = arith.constant 64 : index
    %get3A_114 = tpu.vector_load %arg7[%get3A_112, %get3A_113] {strides = array<i32>} : memref<3x80xi32, #tpu.memory_space<vmem>>, vector<1x16xi32>,
    %get3A_115 = vector.shape_cast %get3A_114 : vector<1x16xi32> to vector<16xi32>
    %mul3A_116 = arith.constant 10000 : i32
    %mul3A_117 = vector.broadcast %mul3A_116 : i32 to vector<16xi32>
    %mul3A_118 = arith.muli %get3A_115, %mul3A_117 : vector<16xi32>
    %get3A_119 = arith.constant 0 : i32
    %get3A_120 = arith.index_cast %get3A_119 : i32 to index
    %get3A_121 = arith.constant 64 : index
    %get3A_122 = tpu.vector_load %arg7[%get3A_120, %get3A_121] {strides = array<i32>} : memref<3x80xi32, #tpu.memory_space<vmem>>, vector<1x16xi32>,
    %get3A_123 = vector.shape_cast %get3A_122 : vector<1x16xi32> to vector<16xi32>
    %add3A_124 = arith.addi %mul3A_118, %get3A_123 : vector<16xi32>
    %add3A_125 = vector.broadcast %mul3A_0 : i32 to vector<16xi32>
    %add3A_126 = arith.addi %add3A_124, %add3A_125 : vector<16xi32>
    %swap3A_127 = arith.constant 64 : index
    %swap3A_128 = tpu.vector_load %arg9[%swap3A_127] {strides = array<i32>} : memref<80xi32, #tpu.memory_space<vmem>>, vector<16xi32>,
    %swap3A_129 = vector.shape_cast %swap3A_128 : vector<16xi32> to vector<16xi32>
    %swap3A_130 = vector.shape_cast %add3A_126 : vector<16xi32> to vector<16xi32>
    tpu.vector_store %arg9[%swap3A_127], %swap3A_130 {strides = array<i32>} : memref<80xi32, #tpu.memory_space<vmem>>, vector<16xi32>,
    %dma_start3A_131 = arith.constant 0 : i32
    %dma_start3A_132 = arith.constant 0 : i32
    %dma_start3A_133 = tpu.memref_slice %arg2[%dma_start3A_131, %dma_start3A_132] : memref<320000x128xf32, #tpu.memory_space<hbm>> -> memref<320000x128xf32, #tpu.memory_space<hbm>>
    tpu.enqueue_indirect_dma source(%dma_start3A_133 : memref<320000x128xf32, #tpu.memory_space<hbm>>) target(%arg11 : memref<80x128xf32, #tpu.memory_space<vmem>>) offsets(%arg9 : memref<80xi32, #tpu.memory_space<vmem>>) semaphore(%arg15 : memref<!tpu.dma_semaphore, #tpu.memory_space<semaphore_mem>>)
    %scan3A = arith.constant 0 : i32
    %scan3A_134 = arith.constant 125 : i32
    %scan3A_135 = arith.addi %scan3A, %scan3A_134 : i32
    %scan3A_136 = arith.constant 1 : i32
    scf.for %scan3A_146 = %scan3A to %scan3A_135 step %scan3A_136  : i32 {
      %mul3A_147 = arith.constant 1 : i32
      %mul3A_148 = arith.muli %scan3A_146, %mul3A_147 : i32
      %add3A_149 = arith.constant 0 : i32
      %add3A_150 = arith.addi %add3A_149, %mul3A_148 : i32
      %mul3A_151 = arith.constant 2 : i32
      %mul3A_152 = arith.muli %add3A_150, %mul3A_151 : i32
      %ge3A = arith.constant 124 : i32
      %ge3A_153 = arith.cmpi sge, %add3A_150, %ge3A : i32
      %dma_wait3A_154 = arith.constant 0 : i32
      %dma_wait3A_155 = arith.constant 0 : i32
      %dma_wait3A_156 = arith.constant 0 : i32
      %dma_wait3A_157 = tpu.memref_slice %arg3[%dma_wait3A_154, %dma_wait3A_155, %dma_wait3A_156] : memref<4000x3x80xi32, #tpu.memory_space<hbm>> -> memref<1x3x80xi32, #tpu.memory_space<hbm>>
      %dma_wait3A_158 = tpu.memref_squeeze %dma_wait3A_157 : memref<1x3x80xi32, #tpu.memory_space<hbm>> -> memref<3x80xi32, #tpu.memory_space<hbm>>
      %dma_wait3A_159 = arith.constant 0 : i32
      %dma_wait3A_160 = arith.constant 0 : i32
      %dma_wait3A_161 = tpu.memref_slice %arg3[%dma_wait3A_154, %dma_wait3A_159, %dma_wait3A_160] : memref<4000x3x80xi32, #tpu.memory_space<hbm>> -> memref<1x3x80xi32, #tpu.memory_space<hbm>>
      %dma_wait3A_162 = tpu.memref_squeeze %dma_wait3A_161 : memref<1x3x80xi32, #tpu.memory_space<hbm>> -> memref<3x80xi32, #tpu.memory_space<hbm>>
      tpu.wait_dma2 semaphore(%arg14 : memref<!tpu.dma_semaphore, #tpu.memory_space<semaphore_mem>>) src(%dma_wait3A_162 : memref<3x80xi32, #tpu.memory_space<hbm>>) dst(%arg8 : memref<3x80xi32, #tpu.memory_space<vmem>>)
      %get3A_163 = arith.constant 1 : i32
      %get3A_164 = arith.index_cast %get3A_163 : i32 to index
      %get3A_165 = arith.constant 0 : index
      %get3A_166 = tpu.vector_load %arg8[%get3A_164, %get3A_165] {strides = array<i32>} : memref<3x80xi32, #tpu.memory_space<vmem>>, vector<1x16xi32>,
      %get3A_167 = vector.shape_cast %get3A_166 : vector<1x16xi32> to vector<16xi32>
      %mul3A_168 = arith.constant 10000 : i32
      %mul3A_169 = vector.broadcast %mul3A_168 : i32 to vector<16xi32>
      %mul3A_170 = arith.muli %get3A_167, %mul3A_169 : vector<16xi32>
      %get3A_171 = arith.constant 0 : i32
      %get3A_172 = arith.index_cast %get3A_171 : i32 to index
      %get3A_173 = arith.constant 0 : index
      %get3A_174 = tpu.vector_load %arg8[%get3A_172, %get3A_173] {strides = array<i32>} : memref<3x80xi32, #tpu.memory_space<vmem>>, vector<1x16xi32>,
      %get3A_175 = vector.shape_cast %get3A_174 : vector<1x16xi32> to vector<16xi32>
      %add3A_176 = arith.addi %mul3A_170, %get3A_175 : vector<16xi32>
      %add3A_177 = vector.broadcast %mul3A_0 : i32 to vector<16xi32>
      %add3A_178 = arith.addi %add3A_176, %add3A_177 : vector<16xi32>
      %swap3A_179 = arith.constant 0 : index
      %swap3A_180 = tpu.vector_load %arg10[%swap3A_179] {strides = array<i32>} : memref<80xi32, #tpu.memory_space<vmem>>, vector<16xi32>,
      %swap3A_181 = vector.shape_cast %swap3A_180 : vector<16xi32> to vector<16xi32>
      %swap3A_182 = vector.shape_cast %add3A_178 : vector<16xi32> to vector<16xi32>
      tpu.vector_store %arg10[%swap3A_179], %swap3A_182 {strides = array<i32>} : memref<80xi32, #tpu.memory_space<vmem>>, vector<16xi32>,
      %get3A_183 = arith.constant 1 : i32
      %get3A_184 = arith.index_cast %get3A_183 : i32 to index
      %get3A_185 = arith.constant 16 : index
      %get3A_186 = tpu.vector_load %arg8[%get3A_184, %get3A_185] {strides = array<i32>} : memref<3x80xi32, #tpu.memory_space<vmem>>, vector<1x16xi32>,
      %get3A_187 = vector.shape_cast %get3A_186 : vector<1x16xi32> to vector<16xi32>
      %mul3A_188 = arith.constant 10000 : i32
      %mul3A_189 = vector.broadcast %mul3A_188 : i32 to vector<16xi32>
      %mul3A_190 = arith.muli %get3A_187, %mul3A_189 : vector<16xi32>
      %get3A_191 = arith.constant 0 : i32
      %get3A_192 = arith.index_cast %get3A_191 : i32 to index
      %get3A_193 = arith.constant 16 : index
      %get3A_194 = tpu.vector_load %arg8[%get3A_192, %get3A_193] {strides = array<i32>} : memref<3x80xi32, #tpu.memory_space<vmem>>, vector<1x16xi32>,
      %get3A_195 = vector.shape_cast %get3A_194 : vector<1x16xi32> to vector<16xi32>
      %add3A_196 = arith.addi %mul3A_190, %get3A_195 : vector<16xi32>
      %add3A_197 = vector.broadcast %mul3A_0 : i32 to vector<16xi32>
      %add3A_198 = arith.addi %add3A_196, %add3A_197 : vector<16xi32>
      %swap3A_199 = arith.constant 16 : index
      %swap3A_200 = tpu.vector_load %arg10[%swap3A_199] {strides = array<i32>} : memref<80xi32, #tpu.memory_space<vmem>>, vector<16xi32>,
      %swap3A_201 = vector.shape_cast %swap3A_200 : vector<16xi32> to vector<16xi32>
      %swap3A_202 = vector.shape_cast %add3A_198 : vector<16xi32> to vector<16xi32>
      tpu.vector_store %arg10[%swap3A_199], %swap3A_202 {strides = array<i32>} : memref<80xi32, #tpu.memory_space<vmem>>, vector<16xi32>,
      %get3A_203 = arith.constant 1 : i32
      %get3A_204 = arith.index_cast %get3A_203 : i32 to index
      %get3A_205 = arith.constant 32 : index
      %get3A_206 = tpu.vector_load %arg8[%get3A_204, %get3A_205] {strides = array<i32>} : memref<3x80xi32, #tpu.memory_space<vmem>>, vector<1x16xi32>,
      %get3A_207 = vector.shape_cast %get3A_206 : vector<1x16xi32> to vector<16xi32>
      %mul3A_208 = arith.constant 10000 : i32
      %mul3A_209 = vector.broadcast %mul3A_208 : i32 to vector<16xi32>
      %mul3A_210 = arith.muli %get3A_207, %mul3A_209 : vector<16xi32>
      %get3A_211 = arith.constant 0 : i32
      %get3A_212 = arith.index_cast %get3A_211 : i32 to index
      %get3A_213 = arith.constant 32 : index
      %get3A_214 = tpu.vector_load %arg8[%get3A_212, %get3A_213] {strides = array<i32>} : memref<3x80xi32, #tpu.memory_space<vmem>>, vector<1x16xi32>,
      %get3A_215 = vector.shape_cast %get3A_214 : vector<1x16xi32> to vector<16xi32>
      %add3A_216 = arith.addi %mul3A_210, %get3A_215 : vector<16xi32>
      %add3A_217 = vector.broadcast %mul3A_0 : i32 to vector<16xi32>
      %add3A_218 = arith.addi %add3A_216, %add3A_217 : vector<16xi32>
      %swap3A_219 = arith.constant 32 : index
      %swap3A_220 = tpu.vector_load %arg10[%swap3A_219] {strides = array<i32>} : memref<80xi32, #tpu.memory_space<vmem>>, vector<16xi32>,
      %swap3A_221 = vector.shape_cast %swap3A_220 : vector<16xi32> to vector<16xi32>
      %swap3A_222 = vector.shape_cast %add3A_218 : vector<16xi32> to vector<16xi32>
      tpu.vector_store %arg10[%swap3A_219], %swap3A_222 {strides = array<i32>} : memref<80xi32, #tpu.memory_space<vmem>>, vector<16xi32>,
      %get3A_223 = arith.constant 1 : i32
      %get3A_224 = arith.index_cast %get3A_223 : i32 to index
      %get3A_225 = arith.constant 48 : index
      %get3A_226 = tpu.vector_load %arg8[%get3A_224, %get3A_225] {strides = array<i32>} : memref<3x80xi32, #tpu.memory_space<vmem>>, vector<1x16xi32>,
      %get3A_227 = vector.shape_cast %get3A_226 : vector<1x16xi32> to vector<16xi32>
      %mul3A_228 = arith.constant 10000 : i32
      %mul3A_229 = vector.broadcast %mul3A_228 : i32 to vector<16xi32>
      %mul3A_230 = arith.muli %get3A_227, %mul3A_229 : vector<16xi32>
      %get3A_231 = arith.constant 0 : i32
      %get3A_232 = arith.index_cast %get3A_231 : i32 to index
      %get3A_233 = arith.constant 48 : index
      %get3A_234 = tpu.vector_load %arg8[%get3A_232, %get3A_233] {strides = array<i32>} : memref<3x80xi32, #tpu.memory_space<vmem>>, vector<1x16xi32>,
      %get3A_235 = vector.shape_cast %get3A_234 : vector<1x16xi32> to vector<16xi32>
      %add3A_236 = arith.addi %mul3A_230, %get3A_235 : vector<16xi32>
      %add3A_237 = vector.broadcast %mul3A_0 : i32 to vector<16xi32>
      %add3A_238 = arith.addi %add3A_236, %add3A_237 : vector<16xi32>
      %swap3A_239 = arith.constant 48 : index
      %swap3A_240 = tpu.vector_load %arg10[%swap3A_239] {strides = array<i32>} : memref<80xi32, #tpu.memory_space<vmem>>, vector<16xi32>,
      %swap3A_241 = vector.shape_cast %swap3A_240 : vector<16xi32> to vector<16xi32>
      %swap3A_242 = vector.shape_cast %add3A_238 : vector<16xi32> to vector<16xi32>
      tpu.vector_store %arg10[%swap3A_239], %swap3A_242 {strides = array<i32>} : memref<80xi32, #tpu.memory_space<vmem>>, vector<16xi32>,
      %get3A_243 = arith.constant 1 : i32
      %get3A_244 = arith.index_cast %get3A_243 : i32 to index
      %get3A_245 = arith.constant 64 : index
      %get3A_246 = tpu.vector_load %arg8[%get3A_244, %get3A_245] {strides = array<i32>} : memref<3x80xi32, #tpu.memory_space<vmem>>, vector<1x16xi32>,
      %get3A_247 = vector.shape_cast %get3A_246 : vector<1x16xi32> to vector<16xi32>
      %mul3A_248 = arith.constant 10000 : i32
      %mul3A_249 = vector.broadcast %mul3A_248 : i32 to vector<16xi32>
      %mul3A_250 = arith.muli %get3A_247, %mul3A_249 : vector<16xi32>
      %get3A_251 = arith.constant 0 : i32
      %get3A_252 = arith.index_cast %get3A_251 : i32 to index
      %get3A_253 = arith.constant 64 : index
      %get3A_254 = tpu.vector_load %arg8[%get3A_252, %get3A_253] {strides = array<i32>} : memref<3x80xi32, #tpu.memory_space<vmem>>, vector<1x16xi32>,
      %get3A_255 = vector.shape_cast %get3A_254 : vector<1x16xi32> to vector<16xi32>
      %add3A_256 = arith.addi %mul3A_250, %get3A_255 : vector<16xi32>
      %add3A_257 = vector.broadcast %mul3A_0 : i32 to vector<16xi32>
      %add3A_258 = arith.addi %add3A_256, %add3A_257 : vector<16xi32>
      %swap3A_259 = arith.constant 64 : index
      %swap3A_260 = tpu.vector_load %arg10[%swap3A_259] {strides = array<i32>} : memref<80xi32, #tpu.memory_space<vmem>>, vector<16xi32>,
      %swap3A_261 = vector.shape_cast %swap3A_260 : vector<16xi32> to vector<16xi32>
      %swap3A_262 = vector.shape_cast %add3A_258 : vector<16xi32> to vector<16xi32>
      tpu.vector_store %arg10[%swap3A_259], %swap3A_262 {strides = array<i32>} : memref<80xi32, #tpu.memory_space<vmem>>, vector<16xi32>,
      %dma_start3A_263 = arith.constant 0 : i32
      %dma_start3A_264 = arith.constant 0 : i32
      %dma_start3A_265 = tpu.memref_slice %arg2[%dma_start3A_263, %dma_start3A_264] : memref<320000x128xf32, #tpu.memory_space<hbm>> -> memref<320000x128xf32, #tpu.memory_space<hbm>>
      tpu.enqueue_indirect_dma source(%dma_start3A_265 : memref<320000x128xf32, #tpu.memory_space<hbm>>) target(%arg12 : memref<80x128xf32, #tpu.memory_space<vmem>>) offsets(%arg10 : memref<80xi32, #tpu.memory_space<vmem>>) semaphore(%arg16 : memref<!tpu.dma_semaphore, #tpu.memory_space<semaphore_mem>>)
      %dma_wait3A_266 = arith.constant 0 : i32
      %dma_wait3A_267 = arith.constant 0 : i32
      %dma_wait3A_268 = tpu.memref_slice %arg2[%dma_wait3A_266, %dma_wait3A_267] : memref<320000x128xf32, #tpu.memory_space<hbm>> -> memref<320000x128xf32, #tpu.memory_space<hbm>>
      tpu.wait_indirect_dma semaphore(%arg15 : memref<!tpu.dma_semaphore, #tpu.memory_space<semaphore_mem>>) src(%dma_wait3A_268 : memref<320000x128xf32, #tpu.memory_space<hbm>>) dst(%arg11 : memref<80x128xf32, #tpu.memory_space<vmem>>)
      %run_scoped3A = arith.constant 2 : i32
      "tpu.region"() ({
        %run_scoped3A_285 = tpu.sem_alloc : memref<!tpu.dma_semaphore, #tpu.memory_space<semaphore_mem>>
        %dma_start3A_286 = arith.constant 0 : i32
        %dma_start3A_287 = tpu.memref_slice %arg7[%run_scoped3A, %dma_start3A_286] : memref<3x80xi32, #tpu.memory_space<vmem>> -> memref<1x80xi32, #tpu.memory_space<vmem>>
        %dma_start3A_288 = tpu.memref_squeeze %dma_start3A_287 : memref<1x80xi32, #tpu.memory_space<vmem>> -> memref<80xi32, #tpu.memory_space<vmem>>
        %dma_start3A_289 = arith.constant 0 : i32
        %dma_start3A_290 = arith.constant 0 : i32
        %dma_start3A_291 = tpu.memref_slice %arg6[%dma_start3A_289, %dma_start3A_290] : memref<10112x128xf32, #tpu.memory_space<vmem_shared>> -> memref<10112x128xf32, #tpu.memory_space<vmem_shared>>
        tpu.enqueue_indirect_dma source(%arg11 : memref<80x128xf32, #tpu.memory_space<vmem>>) target(%dma_start3A_291 : memref<10112x128xf32, #tpu.memory_space<vmem_shared>>) offsets(%dma_start3A_288 : memref<80xi32, #tpu.memory_space<vmem>>) semaphore(%run_scoped3A_285 : memref<!tpu.dma_semaphore, #tpu.memory_space<semaphore_mem>>) {add = true}
        %dma_wait3A_292 = arith.constant 0 : i32
        %dma_wait3A_293 = tpu.memref_slice %arg7[%run_scoped3A, %dma_wait3A_292] : memref<3x80xi32, #tpu.memory_space<vmem>> -> memref<1x80xi32, #tpu.memory_space<vmem>>
        %dma_wait3A_294 = tpu.memref_squeeze %dma_wait3A_293 : memref<1x80xi32, #tpu.memory_space<vmem>> -> memref<80xi32, #tpu.memory_space<vmem>>
        %dma_wait3A_295 = arith.constant 0 : i32
        %dma_wait3A_296 = arith.constant 0 : i32
        %dma_wait3A_297 = tpu.memref_slice %arg6[%dma_wait3A_295, %dma_wait3A_296] : memref<10112x128xf32, #tpu.memory_space<vmem_shared>> -> memref<10112x128xf32, #tpu.memory_space<vmem_shared>>
        tpu.wait_indirect_dma semaphore(%run_scoped3A_285 : memref<!tpu.dma_semaphore, #tpu.memory_space<semaphore_mem>>) src(%arg11 : memref<80x128xf32, #tpu.memory_space<vmem>>) dst(%dma_wait3A_297 : memref<10112x128xf32, #tpu.memory_space<vmem_shared>>)
        tpu.yield
      }) : () -> ()
      %not3A = arith.constant true
      %not3A_269 = arith.xori %ge3A_153, %not3A : i1
      %convert_element_type3A = arith.extui %not3A_269 : i1 to i32
      %cond3A = arith.constant 0 : i32
      %cond3A_270 = arith.cmpi ne, %convert_element_type3A, %cond3A : i32
      scf.if %cond3A_270 {
        %add3A_285 = arith.constant 2 : i32
        %add3A_286 = arith.addi %mul3A_152, %add3A_285 : i32
        %add3A_287 = arith.addi %mul3A_2, %add3A_286 : i32
        %dma_start3A_288 = arith.constant 0 : i32
        %dma_start3A_289 = arith.constant 0 : i32
        %dma_start3A_290 = tpu.memref_slice %arg3[%add3A_287, %dma_start3A_288, %dma_start3A_289] : memref<4000x3x80xi32, #tpu.memory_space<hbm>> -> memref<1x3x80xi32, #tpu.memory_space<hbm>>
        %dma_start3A_291 = tpu.memref_squeeze %dma_start3A_290 : memref<1x3x80xi32, #tpu.memory_space<hbm>> -> memref<3x80xi32, #tpu.memory_space<hbm>>
        %dma_start3A_292 = arith.constant 0 : i32
        %dma_start3A_293 = arith.constant 0 : i32
        %dma_start3A_294 = tpu.memref_slice %arg3[%add3A_287, %dma_start3A_292, %dma_start3A_293] : memref<4000x3x80xi32, #tpu.memory_space<hbm>> -> memref<1x3x80xi32, #tpu.memory_space<hbm>>
        %dma_start3A_295 = tpu.memref_squeeze %dma_start3A_294 : memref<1x3x80xi32, #tpu.memory_space<hbm>> -> memref<3x80xi32, #tpu.memory_space<hbm>>
        tpu.enqueue_dma source(%dma_start3A_295 : memref<3x80xi32, #tpu.memory_space<hbm>>) target(%arg7 : memref<3x80xi32, #tpu.memory_space<vmem>>) target_semaphore(%arg13 : memref<!tpu.dma_semaphore, #tpu.memory_space<semaphore_mem>>)
      } else {
      }
      %not3A_271 = arith.constant true
      %not3A_272 = arith.xori %ge3A_153, %not3A_271 : i1
      %convert_element_type3A_273 = arith.extui %not3A_272 : i1 to i32
      %cond3A_274 = arith.constant 0 : i32
      %cond3A_275 = arith.cmpi ne, %convert_element_type3A_273, %cond3A_274 : i32
      scf.if %cond3A_275 {
        %dma_wait3A_285 = arith.constant 0 : i32
        %dma_wait3A_286 = arith.constant 0 : i32
        %dma_wait3A_287 = arith.constant 0 : i32
        %dma_wait3A_288 = tpu.memref_slice %arg3[%dma_wait3A_285, %dma_wait3A_286, %dma_wait3A_287] : memref<4000x3x80xi32, #tpu.memory_space<hbm>> -> memref<1x3x80xi32, #tpu.memory_space<hbm>>
        %dma_wait3A_289 = tpu.memref_squeeze %dma_wait3A_288 : memref<1x3x80xi32, #tpu.memory_space<hbm>> -> memref<3x80xi32, #tpu.memory_space<hbm>>
        %dma_wait3A_290 = arith.constant 0 : i32
        %dma_wait3A_291 = arith.constant 0 : i32
        %dma_wait3A_292 = tpu.memref_slice %arg3[%dma_wait3A_285, %dma_wait3A_290, %dma_wait3A_291] : memref<4000x3x80xi32, #tpu.memory_space<hbm>> -> memref<1x3x80xi32, #tpu.memory_space<hbm>>
        %dma_wait3A_293 = tpu.memref_squeeze %dma_wait3A_292 : memref<1x3x80xi32, #tpu.memory_space<hbm>> -> memref<3x80xi32, #tpu.memory_space<hbm>>
        tpu.wait_dma2 semaphore(%arg13 : memref<!tpu.dma_semaphore, #tpu.memory_space<semaphore_mem>>) src(%dma_wait3A_293 : memref<3x80xi32, #tpu.memory_space<hbm>>) dst(%arg7 : memref<3x80xi32, #tpu.memory_space<vmem>>)
        %get3A_294 = arith.constant 1 : i32
        %get3A_295 = arith.index_cast %get3A_294 : i32 to index
        %get3A_296 = arith.constant 0 : index
        %get3A_297 = tpu.vector_load %arg7[%get3A_295, %get3A_296] {strides = array<i32>} : memref<3x80xi32, #tpu.memory_space<vmem>>, vector<1x16xi32>,
        %get3A_298 = vector.shape_cast %get3A_297 : vector<1x16xi32> to vector<16xi32>
        %mul3A_299 = arith.constant 10000 : i32
        %mul3A_300 = vector.broadcast %mul3A_299 : i32 to vector<16xi32>
        %mul3A_301 = arith.muli %get3A_298, %mul3A_300 : vector<16xi32>
        %get3A_302 = arith.constant 0 : i32
        %get3A_303 = arith.index_cast %get3A_302 : i32 to index
        %get3A_304 = arith.constant 0 : index
        %get3A_305 = tpu.vector_load %arg7[%get3A_303, %get3A_304] {strides = array<i32>} : memref<3x80xi32, #tpu.memory_space<vmem>>, vector<1x16xi32>,
        %get3A_306 = vector.shape_cast %get3A_305 : vector<1x16xi32> to vector<16xi32>
        %add3A_307 = arith.addi %mul3A_301, %get3A_306 : vector<16xi32>
        %add3A_308 = vector.broadcast %mul3A_0 : i32 to vector<16xi32>
        %add3A_309 = arith.addi %add3A_307, %add3A_308 : vector<16xi32>
        %swap3A_310 = arith.constant 0 : index
        %swap3A_311 = tpu.vector_load %arg9[%swap3A_310] {strides = array<i32>} : memref<80xi32, #tpu.memory_space<vmem>>, vector<16xi32>,
        %swap3A_312 = vector.shape_cast %swap3A_311 : vector<16xi32> to vector<16xi32>
        %swap3A_313 = vector.shape_cast %add3A_309 : vector<16xi32> to vector<16xi32>
        tpu.vector_store %arg9[%swap3A_310], %swap3A_313 {strides = array<i32>} : memref<80xi32, #tpu.memory_space<vmem>>, vector<16xi32>,
        %get3A_314 = arith.constant 1 : i32
        %get3A_315 = arith.index_cast %get3A_314 : i32 to index
        %get3A_316 = arith.constant 16 : index
        %get3A_317 = tpu.vector_load %arg7[%get3A_315, %get3A_316] {strides = array<i32>} : memref<3x80xi32, #tpu.memory_space<vmem>>, vector<1x16xi32>,
        %get3A_318 = vector.shape_cast %get3A_317 : vector<1x16xi32> to vector<16xi32>
        %mul3A_319 = arith.constant 10000 : i32
        %mul3A_320 = vector.broadcast %mul3A_319 : i32 to vector<16xi32>
        %mul3A_321 = arith.muli %get3A_318, %mul3A_320 : vector<16xi32>
        %get3A_322 = arith.constant 0 : i32
        %get3A_323 = arith.index_cast %get3A_322 : i32 to index
        %get3A_324 = arith.constant 16 : index
        %get3A_325 = tpu.vector_load %arg7[%get3A_323, %get3A_324] {strides = array<i32>} : memref<3x80xi32, #tpu.memory_space<vmem>>, vector<1x16xi32>,
        %get3A_326 = vector.shape_cast %get3A_325 : vector<1x16xi32> to vector<16xi32>
        %add3A_327 = arith.addi %mul3A_321, %get3A_326 : vector<16xi32>
        %add3A_328 = vector.broadcast %mul3A_0 : i32 to vector<16xi32>
        %add3A_329 = arith.addi %add3A_327, %add3A_328 : vector<16xi32>
        %swap3A_330 = arith.constant 16 : index
        %swap3A_331 = tpu.vector_load %arg9[%swap3A_330] {strides = array<i32>} : memref<80xi32, #tpu.memory_space<vmem>>, vector<16xi32>,
        %swap3A_332 = vector.shape_cast %swap3A_331 : vector<16xi32> to vector<16xi32>
        %swap3A_333 = vector.shape_cast %add3A_329 : vector<16xi32> to vector<16xi32>
        tpu.vector_store %arg9[%swap3A_330], %swap3A_333 {strides = array<i32>} : memref<80xi32, #tpu.memory_space<vmem>>, vector<16xi32>,
        %get3A_334 = arith.constant 1 : i32
        %get3A_335 = arith.index_cast %get3A_334 : i32 to index
        %get3A_336 = arith.constant 32 : index
        %get3A_337 = tpu.vector_load %arg7[%get3A_335, %get3A_336] {strides = array<i32>} : memref<3x80xi32, #tpu.memory_space<vmem>>, vector<1x16xi32>,
        %get3A_338 = vector.shape_cast %get3A_337 : vector<1x16xi32> to vector<16xi32>
        %mul3A_339 = arith.constant 10000 : i32
        %mul3A_340 = vector.broadcast %mul3A_339 : i32 to vector<16xi32>
        %mul3A_341 = arith.muli %get3A_338, %mul3A_340 : vector<16xi32>
        %get3A_342 = arith.constant 0 : i32
        %get3A_343 = arith.index_cast %get3A_342 : i32 to index
        %get3A_344 = arith.constant 32 : index
        %get3A_345 = tpu.vector_load %arg7[%get3A_343, %get3A_344] {strides = array<i32>} : memref<3x80xi32, #tpu.memory_space<vmem>>, vector<1x16xi32>,
        %get3A_346 = vector.shape_cast %get3A_345 : vector<1x16xi32> to vector<16xi32>
        %add3A_347 = arith.addi %mul3A_341, %get3A_346 : vector<16xi32>
        %add3A_348 = vector.broadcast %mul3A_0 : i32 to vector<16xi32>
        %add3A_349 = arith.addi %add3A_347, %add3A_348 : vector<16xi32>
        %swap3A_350 = arith.constant 32 : index
        %swap3A_351 = tpu.vector_load %arg9[%swap3A_350] {strides = array<i32>} : memref<80xi32, #tpu.memory_space<vmem>>, vector<16xi32>,
        %swap3A_352 = vector.shape_cast %swap3A_351 : vector<16xi32> to vector<16xi32>
        %swap3A_353 = vector.shape_cast %add3A_349 : vector<16xi32> to vector<16xi32>
        tpu.vector_store %arg9[%swap3A_350], %swap3A_353 {strides = array<i32>} : memref<80xi32, #tpu.memory_space<vmem>>, vector<16xi32>,
        %get3A_354 = arith.constant 1 : i32
        %get3A_355 = arith.index_cast %get3A_354 : i32 to index
        %get3A_356 = arith.constant 48 : index
        %get3A_357 = tpu.vector_load %arg7[%get3A_355, %get3A_356] {strides = array<i32>} : memref<3x80xi32, #tpu.memory_space<vmem>>, vector<1x16xi32>,
        %get3A_358 = vector.shape_cast %get3A_357 : vector<1x16xi32> to vector<16xi32>
        %mul3A_359 = arith.constant 10000 : i32
        %mul3A_360 = vector.broadcast %mul3A_359 : i32 to vector<16xi32>
        %mul3A_361 = arith.muli %get3A_358, %mul3A_360 : vector<16xi32>
        %get3A_362 = arith.constant 0 : i32
        %get3A_363 = arith.index_cast %get3A_362 : i32 to index
        %get3A_364 = arith.constant 48 : index
        %get3A_365 = tpu.vector_load %arg7[%get3A_363, %get3A_364] {strides = array<i32>} : memref<3x80xi32, #tpu.memory_space<vmem>>, vector<1x16xi32>,
        %get3A_366 = vector.shape_cast %get3A_365 : vector<1x16xi32> to vector<16xi32>
        %add3A_367 = arith.addi %mul3A_361, %get3A_366 : vector<16xi32>
        %add3A_368 = vector.broadcast %mul3A_0 : i32 to vector<16xi32>
        %add3A_369 = arith.addi %add3A_367, %add3A_368 : vector<16xi32>
        %swap3A_370 = arith.constant 48 : index
        %swap3A_371 = tpu.vector_load %arg9[%swap3A_370] {strides = array<i32>} : memref<80xi32, #tpu.memory_space<vmem>>, vector<16xi32>,
        %swap3A_372 = vector.shape_cast %swap3A_371 : vector<16xi32> to vector<16xi32>
        %swap3A_373 = vector.shape_cast %add3A_369 : vector<16xi32> to vector<16xi32>
        tpu.vector_store %arg9[%swap3A_370], %swap3A_373 {strides = array<i32>} : memref<80xi32, #tpu.memory_space<vmem>>, vector<16xi32>,
        %get3A_374 = arith.constant 1 : i32
        %get3A_375 = arith.index_cast %get3A_374 : i32 to index
        %get3A_376 = arith.constant 64 : index
        %get3A_377 = tpu.vector_load %arg7[%get3A_375, %get3A_376] {strides = array<i32>} : memref<3x80xi32, #tpu.memory_space<vmem>>, vector<1x16xi32>,
        %get3A_378 = vector.shape_cast %get3A_377 : vector<1x16xi32> to vector<16xi32>
        %mul3A_379 = arith.constant 10000 : i32
        %mul3A_380 = vector.broadcast %mul3A_379 : i32 to vector<16xi32>
        %mul3A_381 = arith.muli %get3A_378, %mul3A_380 : vector<16xi32>
        %get3A_382 = arith.constant 0 : i32
        %get3A_383 = arith.index_cast %get3A_382 : i32 to index
        %get3A_384 = arith.constant 64 : index
        %get3A_385 = tpu.vector_load %arg7[%get3A_383, %get3A_384] {strides = array<i32>} : memref<3x80xi32, #tpu.memory_space<vmem>>, vector<1x16xi32>,
        %get3A_386 = vector.shape_cast %get3A_385 : vector<1x16xi32> to vector<16xi32>
        %add3A_387 = arith.addi %mul3A_381, %get3A_386 : vector<16xi32>
        %add3A_388 = vector.broadcast %mul3A_0 : i32 to vector<16xi32>
        %add3A_389 = arith.addi %add3A_387, %add3A_388 : vector<16xi32>
        %swap3A_390 = arith.constant 64 : index
        %swap3A_391 = tpu.vector_load %arg9[%swap3A_390] {strides = array<i32>} : memref<80xi32, #tpu.memory_space<vmem>>, vector<16xi32>,
        %swap3A_392 = vector.shape_cast %swap3A_391 : vector<16xi32> to vector<16xi32>
        %swap3A_393 = vector.shape_cast %add3A_389 : vector<16xi32> to vector<16xi32>
        tpu.vector_store %arg9[%swap3A_390], %swap3A_393 {strides = array<i32>} : memref<80xi32, #tpu.memory_space<vmem>>, vector<16xi32>,
        %dma_start3A_394 = arith.constant 0 : i32
        %dma_start3A_395 = arith.constant 0 : i32
        %dma_start3A_396 = tpu.memref_slice %arg2[%dma_start3A_394, %dma_start3A_395] : memref<320000x128xf32, #tpu.memory_space<hbm>> -> memref<320000x128xf32, #tpu.memory_space<hbm>>
        tpu.enqueue_indirect_dma source(%dma_start3A_396 : memref<320000x128xf32, #tpu.memory_space<hbm>>) target(%arg11 : memref<80x128xf32, #tpu.memory_space<vmem>>) offsets(%arg9 : memref<80xi32, #tpu.memory_space<vmem>>) semaphore(%arg15 : memref<!tpu.dma_semaphore, #tpu.memory_space<semaphore_mem>>)
      } else {
      }
      %dma_wait3A_276 = arith.constant 0 : i32
      %dma_wait3A_277 = arith.constant 0 : i32
      %dma_wait3A_278 = tpu.memref_slice %arg2[%dma_wait3A_276, %dma_wait3A_277] : memref<320000x128xf32, #tpu.memory_space<hbm>> -> memref<320000x128xf32, #tpu.memory_space<hbm>>
      tpu.wait_indirect_dma semaphore(%arg16 : memref<!tpu.dma_semaphore, #tpu.memory_space<semaphore_mem>>) src(%dma_wait3A_278 : memref<320000x128xf32, #tpu.memory_space<hbm>>) dst(%arg12 : memref<80x128xf32, #tpu.memory_space<vmem>>)
      %run_scoped3A_279 = arith.constant 2 : i32
      "tpu.region"() ({
        %run_scoped3A_285 = tpu.sem_alloc : memref<!tpu.dma_semaphore, #tpu.memory_space<semaphore_mem>>
        %dma_start3A_286 = arith.constant 0 : i32
        %dma_start3A_287 = tpu.memref_slice %arg8[%run_scoped3A_279, %dma_start3A_286] : memref<3x80xi32, #tpu.memory_space<vmem>> -> memref<1x80xi32, #tpu.memory_space<vmem>>
        %dma_start3A_288 = tpu.memref_squeeze %dma_start3A_287 : memref<1x80xi32, #tpu.memory_space<vmem>> -> memref<80xi32, #tpu.memory_space<vmem>>
        %dma_start3A_289 = arith.constant 0 : i32
        %dma_start3A_290 = arith.constant 0 : i32
        %dma_start3A_291 = tpu.memref_slice %arg6[%dma_start3A_289, %dma_start3A_290] : memref<10112x128xf32, #tpu.memory_space<vmem_shared>> -> memref<10112x128xf32, #tpu.memory_space<vmem_shared>>
        tpu.enqueue_indirect_dma source(%arg12 : memref<80x128xf32, #tpu.memory_space<vmem>>) target(%dma_start3A_291 : memref<10112x128xf32, #tpu.memory_space<vmem_shared>>) offsets(%dma_start3A_288 : memref<80xi32, #tpu.memory_space<vmem>>) semaphore(%run_scoped3A_285 : memref<!tpu.dma_semaphore, #tpu.memory_space<semaphore_mem>>) {add = true}
        %dma_wait3A_292 = arith.constant 0 : i32
        %dma_wait3A_293 = tpu.memref_slice %arg8[%run_scoped3A_279, %dma_wait3A_292] : memref<3x80xi32, #tpu.memory_space<vmem>> -> memref<1x80xi32, #tpu.memory_space<vmem>>
        %dma_wait3A_294 = tpu.memref_squeeze %dma_wait3A_293 : memref<1x80xi32, #tpu.memory_space<vmem>> -> memref<80xi32, #tpu.memory_space<vmem>>
        %dma_wait3A_295 = arith.constant 0 : i32
        %dma_wait3A_296 = arith.constant 0 : i32
        %dma_wait3A_297 = tpu.memref_slice %arg6[%dma_wait3A_295, %dma_wait3A_296] : memref<10112x128xf32, #tpu.memory_space<vmem_shared>> -> memref<10112x128xf32, #tpu.memory_space<vmem_shared>>
        tpu.wait_indirect_dma semaphore(%run_scoped3A_285 : memref<!tpu.dma_semaphore, #tpu.memory_space<semaphore_mem>>) src(%arg12 : memref<80x128xf32, #tpu.memory_space<vmem>>) dst(%dma_wait3A_297 : memref<10112x128xf32, #tpu.memory_space<vmem_shared>>)
        tpu.yield
      }) : () -> ()
      %not3A_280 = arith.constant true
      %not3A_281 = arith.xori %ge3A_153, %not3A_280 : i1
      %convert_element_type3A_282 = arith.extui %not3A_281 : i1 to i32
      %cond3A_283 = arith.constant 0 : i32
      %cond3A_284 = arith.cmpi ne, %convert_element_type3A_282, %cond3A_283 : i32
      scf.if %cond3A_284 {
        %add3A_285 = arith.constant 3 : i32
        %add3A_286 = arith.addi %mul3A_152, %add3A_285 : i32
        %add3A_287 = arith.addi %mul3A_2, %add3A_286 : i32
        %dma_start3A_288 = arith.constant 0 : i32
        %dma_start3A_289 = arith.constant 0 : i32
        %dma_start3A_290 = tpu.memref_slice %arg3[%add3A_287, %dma_start3A_288, %dma_start3A_289] : memref<4000x3x80xi32, #tpu.memory_space<hbm>> -> memref<1x3x80xi32, #tpu.memory_space<hbm>>
        %dma_start3A_291 = tpu.memref_squeeze %dma_start3A_290 : memref<1x3x80xi32, #tpu.memory_space<hbm>> -> memref<3x80xi32, #tpu.memory_space<hbm>>
        %dma_start3A_292 = arith.constant 0 : i32
        %dma_start3A_293 = arith.constant 0 : i32
        %dma_start3A_294 = tpu.memref_slice %arg3[%add3A_287, %dma_start3A_292, %dma_start3A_293] : memref<4000x3x80xi32, #tpu.memory_space<hbm>> -> memref<1x3x80xi32, #tpu.memory_space<hbm>>
        %dma_start3A_295 = tpu.memref_squeeze %dma_start3A_294 : memref<1x3x80xi32, #tpu.memory_space<hbm>> -> memref<3x80xi32, #tpu.memory_space<hbm>>
        tpu.enqueue_dma source(%dma_start3A_295 : memref<3x80xi32, #tpu.memory_space<hbm>>) target(%arg8 : memref<3x80xi32, #tpu.memory_space<vmem>>) target_semaphore(%arg14 : memref<!tpu.dma_semaphore, #tpu.memory_space<semaphore_mem>>)
      } else {
      }
    }
    %scan3A_137 = arith.constant 125 : i32
    %barrier3A_138 = arith.constant 0 : index
    tpu.barrier barrier_id(%barrier3A_138)
    %mul3A_139 = arith.constant 632 : i32
    %mul3A_140 = arith.muli %arg1, %mul3A_139 : i32
    %mul3A_141 = arith.constant 10112 : i32
    %mul3A_142 = arith.muli %arg0, %mul3A_141 : i32
    %mul3A_143 = arith.constant 632 : i32
    %mul3A_144 = arith.muli %arg1, %mul3A_143 : i32
    %add3A_145 = arith.addi %mul3A_142, %mul3A_144 : i32
    "tpu.region"() ({
      %run_scoped3A = tpu.sem_alloc : memref<!tpu.dma_semaphore, #tpu.memory_space<semaphore_mem>>
      %dma_start3A_146 = arith.constant 0 : i32
      %dma_start3A_147 = tpu.memref_slice %arg5[%add3A_145, %dma_start3A_146] : memref<20224x128xf32, #tpu.memory_space<hbm>> -> memref<632x128xf32, #tpu.memory_space<hbm>>
      %dma_start3A_148 = arith.constant 0 : i32
      %dma_start3A_149 = tpu.memref_slice %arg6[%mul3A_140, %dma_start3A_148] : memref<10112x128xf32, #tpu.memory_space<vmem_shared>> -> memref<632x128xf32, #tpu.memory_space<vmem_shared>>
      tpu.enqueue_dma source(%dma_start3A_149 : memref<632x128xf32, #tpu.memory_space<vmem_shared>>) target(%dma_start3A_147 : memref<632x128xf32, #tpu.memory_space<hbm>>) target_semaphore(%run_scoped3A : memref<!tpu.dma_semaphore, #tpu.memory_space<semaphore_mem>>)
      %dma_wait3A_150 = arith.constant 0 : i32
      %dma_wait3A_151 = tpu.memref_slice %arg5[%add3A_145, %dma_wait3A_150] : memref<20224x128xf32, #tpu.memory_space<hbm>> -> memref<632x128xf32, #tpu.memory_space<hbm>>
      %dma_wait3A_152 = arith.constant 0 : i32
      %dma_wait3A_153 = tpu.memref_slice %arg6[%mul3A_140, %dma_wait3A_152] : memref<10112x128xf32, #tpu.memory_space<vmem_shared>> -> memref<632x128xf32, #tpu.memory_space<vmem_shared>>
      tpu.wait_dma2 semaphore(%run_scoped3A : memref<!tpu.dma_semaphore, #tpu.memory_space<semaphore_mem>>) src(%dma_wait3A_153 : memref<632x128xf32, #tpu.memory_space<vmem_shared>>) dst(%dma_wait3A_151 : memref<632x128xf32, #tpu.memory_space<hbm>>)
      tpu.yield
    }) : () -> ()
    return
  }
}

#map = affine_map<(d0, d1) -> (0, 0)>
#map1 = affine_map<(d0, d1) -> (0, 0, 0)>
module attributes {stable_mosaic.version = 14 : i64} {
  func.func @body(%arg0: i32, %arg1: i32, %arg2: memref<320000x128xf32, #tpu.memory_space<hbm>>, %arg3: memref<4000x3x80xi32, #tpu.memory_space<hbm>>, %arg4: memref<10112x128xf32, #tpu.memory_space<hbm>>, %arg5: memref<20224x128xf32, #tpu.memory_space<hbm>>, %arg6: memref<10112x128xf32, #tpu.memory_space<vmem_shared>>, %arg7: memref<3x80xi32, #tpu.memory_space<vmem>>, %arg8: memref<3x80xi32, #tpu.memory_space<vmem>>, %arg9: memref<80xi32, #tpu.memory_space<vmem>>, %arg10: memref<80xi32, #tpu.memory_space<vmem>>, %arg11: memref<80x128xf32, #tpu.memory_space<vmem>>, %arg12: memref<80x128xf32, #tpu.memory_space<vmem>>, %arg13: memref<!tpu.dma_semaphore, #tpu.memory_space<semaphore_mem>>, %arg14: memref<!tpu.dma_semaphore, #tpu.memory_space<semaphore_mem>>, %arg15: memref<!tpu.dma_semaphore, #tpu.memory_space<semaphore_mem>>, %arg16: memref<!tpu.dma_semaphore, #tpu.memory_space<semaphore_mem>>) attributes {dimension_semantics = [#tpu.dimension_semantics<core_parallel>, #tpu.dimension_semantics<subcore_parallel>], iteration_bounds = array<i64: 2, 16>, scalar_prefetch = 0 : i64, scratch_operands = 11 : i64, tpu.core_type = #tpu.core_type<sc_vector_subcore>, window_params = [{transform_indices = #map}, {transform_indices = #map1}, {transform_indices = #map}, {transform_indices = #map}]} {
    %mul3A = arith.constant 160000 : i32
    %mul3A_0 = arith.muli %arg0, %mul3A : i32
    %mul3A_1 = arith.constant 250 : i32
    %mul3A_2 = arith.muli %arg1, %mul3A_1 : i32
    %add3A = arith.constant 0 : i32
    %add3A_3 = arith.addi %mul3A_2, %add3A : i32
    %dma_start3A = arith.constant 0 : i32
    %dma_start3A_4 = arith.constant 0 : i32
    %dma_start3A_5 = tpu.memref_slice %arg3[%add3A_3, %dma_start3A, %dma_start3A_4] : memref<4000x3x80xi32, #tpu.memory_space<hbm>> -> memref<1x3x80xi32, #tpu.memory_space<hbm>>
    %dma_start3A_6 = tpu.memref_squeeze %dma_start3A_5 : memref<1x3x80xi32, #tpu.memory_space<hbm>> -> memref<3x80xi32, #tpu.memory_space<hbm>>
    %dma_start3A_7 = arith.constant 0 : i32
    %dma_start3A_8 = arith.constant 0 : i32
    %dma_start3A_9 = tpu.memref_slice %arg3[%add3A_3, %dma_start3A_7, %dma_start3A_8] : memref<4000x3x80xi32, #tpu.memory_space<hbm>> -> memref<1x3x80xi32, #tpu.memory_space<hbm>>
    %dma_start3A_10 = tpu.memref_squeeze %dma_start3A_9 : memref<1x3x80xi32, #tpu.memory_space<hbm>> -> memref<3x80xi32, #tpu.memory_space<hbm>>
    tpu.enqueue_dma source(%dma_start3A_10 : memref<3x80xi32, #tpu.memory_space<hbm>>) target(%arg7 : memref<3x80xi32, #tpu.memory_space<vmem>>) target_semaphore(%arg13 : memref<!tpu.dma_semaphore, #tpu.memory_space<semaphore_mem>>)
    %add3A_11 = arith.constant 1 : i32
    %add3A_12 = arith.addi %mul3A_2, %add3A_11 : i32
    %dma_start3A_13 = arith.constant 0 : i32
    %dma_start3A_14 = arith.constant 0 : i32
    %dma_start3A_15 = tpu.memref_slice %arg3[%add3A_12, %dma_start3A_13, %dma_start3A_14] : memref<4000x3x80xi32, #tpu.memory_space<hbm>> -> memref<1x3x80xi32, #tpu.memory_space<hbm>>
    %dma_start3A_16 = tpu.memref_squeeze %dma_start3A_15 : memref<1x3x80xi32, #tpu.memory_space<hbm>> -> memref<3x80xi32, #tpu.memory_space<hbm>>
    %dma_start3A_17 = arith.constant 0 : i32
    %dma_start3A_18 = arith.constant 0 : i32
    %dma_start3A_19 = tpu.memref_slice %arg3[%add3A_12, %dma_start3A_17, %dma_start3A_18] : memref<4000x3x80xi32, #tpu.memory_space<hbm>> -> memref<1x3x80xi32, #tpu.memory_space<hbm>>
    %dma_start3A_20 = tpu.memref_squeeze %dma_start3A_19 : memref<1x3x80xi32, #tpu.memory_space<hbm>> -> memref<3x80xi32, #tpu.memory_space<hbm>>
    tpu.enqueue_dma source(%dma_start3A_20 : memref<3x80xi32, #tpu.memory_space<hbm>>) target(%arg8 : memref<3x80xi32, #tpu.memory_space<vmem>>) target_semaphore(%arg14 : memref<!tpu.dma_semaphore, #tpu.memory_space<semaphore_mem>>)
    %mul3A_21 = arith.constant 632 : i32
    %mul3A_22 = arith.muli %arg1, %mul3A_21 : i32
    %mul3A_23 = arith.constant 632 : i32
    %mul3A_24 = arith.muli %arg1, %mul3A_23 : i32
    "tpu.region"() ({
      %run_scoped3A = tpu.sem_alloc : memref<!tpu.dma_semaphore, #tpu.memory_space<semaphore_mem>>
      %dma_start3A_146 = arith.constant 0 : i32
      %dma_start3A_147 = tpu.memref_slice %arg6[%mul3A_24, %dma_start3A_146] : memref<10112x128xf32, #tpu.memory_space<vmem_shared>> -> memref<632x128xf32, #tpu.memory_space<vmem_shared>>
      %dma_start3A_148 = arith.constant 0 : i32
      %dma_start3A_149 = tpu.memref_slice %arg4[%mul3A_22, %dma_start3A_148] : memref<10112x128xf32, #tpu.memory_space<hbm>> -> memref<632x128xf32, #tpu.memory_space<hbm>>
      tpu.enqueue_dma source(%dma_start3A_149 : memref<632x128xf32, #tpu.memory_space<hbm>>) target(%dma_start3A_147 : memref<632x128xf32, #tpu.memory_space<vmem_shared>>) target_semaphore(%run_scoped3A : memref<!tpu.dma_semaphore, #tpu.memory_space<semaphore_mem>>)
      %dma_wait3A_150 = arith.constant 0 : i32
      %dma_wait3A_151 = tpu.memref_slice %arg6[%mul3A_24, %dma_wait3A_150] : memref<10112x128xf32, #tpu.memory_space<vmem_shared>> -> memref<632x128xf32, #tpu.memory_space<vmem_shared>>
      %dma_wait3A_152 = arith.constant 0 : i32
      %dma_wait3A_153 = tpu.memref_slice %arg4[%mul3A_22, %dma_wait3A_152] : memref<10112x128xf32, #tpu.memory_space<hbm>> -> memref<632x128xf32, #tpu.memory_space<hbm>>
      tpu.wait_dma2 semaphore(%run_scoped3A : memref<!tpu.dma_semaphore, #tpu.memory_space<semaphore_mem>>) src(%dma_wait3A_153 : memref<632x128xf32, #tpu.memory_space<hbm>>) dst(%dma_wait3A_151 : memref<632x128xf32, #tpu.memory_space<vmem_shared>>)
      tpu.yield
    }) : () -> ()
    %barrier3A = arith.constant 0 : index
    tpu.barrier barrier_id(%barrier3A)
    %dma_wait3A = arith.constant 0 : i32
    %dma_wait3A_25 = arith.constant 0 : i32
    %dma_wait3A_26 = arith.constant 0 : i32
    %dma_wait3A_27 = tpu.memref_slice %arg3[%dma_wait3A, %dma_wait3A_25, %dma_wait3A_26] : memref<4000x3x80xi32, #tpu.memory_space<hbm>> -> memref<1x3x80xi32, #tpu.memory_space<hbm>>
    %dma_wait3A_28 = tpu.memref_squeeze %dma_wait3A_27 : memref<1x3x80xi32, #tpu.memory_space<hbm>> -> memref<3x80xi32, #tpu.memory_space<hbm>>
    %dma_wait3A_29 = arith.constant 0 : i32
    %dma_wait3A_30 = arith.constant 0 : i32
    %dma_wait3A_31 = tpu.memref_slice %arg3[%dma_wait3A, %dma_wait3A_29, %dma_wait3A_30] : memref<4000x3x80xi32, #tpu.memory_space<hbm>> -> memref<1x3x80xi32, #tpu.memory_space<hbm>>
    %dma_wait3A_32 = tpu.memref_squeeze %dma_wait3A_31 : memref<1x3x80xi32, #tpu.memory_space<hbm>> -> memref<3x80xi32, #tpu.memory_space<hbm>>
    tpu.wait_dma2 semaphore(%arg13 : memref<!tpu.dma_semaphore, #tpu.memory_space<semaphore_mem>>) src(%dma_wait3A_32 : memref<3x80xi32, #tpu.memory_space<hbm>>) dst(%arg7 : memref<3x80xi32, #tpu.memory_space<vmem>>)
    %get3A = arith.constant 1 : i32
    %get3A_33 = arith.index_cast %get3A : i32 to index
    %get3A_34 = arith.constant 0 : index
    %get3A_35 = tpu.vector_load %arg7[%get3A_33, %get3A_34] {strides = array<i32>} : memref<3x80xi32, #tpu.memory_space<vmem>>, vector<1x16xi32>,
    %get3A_36 = vector.shape_cast %get3A_35 : vector<1x16xi32> to vector<16xi32>
    %mul3A_37 = arith.constant 10000 : i32
    %mul3A_38 = vector.broadcast %mul3A_37 : i32 to vector<16xi32>
    %mul3A_39 = arith.muli %get3A_36, %mul3A_38 : vector<16xi32>
    %get3A_40 = arith.constant 0 : i32
    %get3A_41 = arith.index_cast %get3A_40 : i32 to index
    %get3A_42 = arith.constant 0 : index
    %get3A_43 = tpu.vector_load %arg7[%get3A_41, %get3A_42] {strides = array<i32>} : memref<3x80xi32, #tpu.memory_space<vmem>>, vector<1x16xi32>,
    %get3A_44 = vector.shape_cast %get3A_43 : vector<1x16xi32> to vector<16xi32>
    %add3A_45 = arith.addi %mul3A_39, %get3A_44 : vector<16xi32>
    %add3A_46 = vector.broadcast %mul3A_0 : i32 to vector<16xi32>
    %add3A_47 = arith.addi %add3A_45, %add3A_46 : vector<16xi32>
    %swap3A = arith.constant 0 : index
    %swap3A_48 = tpu.vector_load %arg9[%swap3A] {strides = array<i32>} : memref<80xi32, #tpu.memory_space<vmem>>, vector<16xi32>,
    %swap3A_49 = vector.shape_cast %swap3A_48 : vector<16xi32> to vector<16xi32>
    %swap3A_50 = vector.shape_cast %add3A_47 : vector<16xi32> to vector<16xi32>
    tpu.vector_store %arg9[%swap3A], %swap3A_50 {strides = array<i32>} : memref<80xi32, #tpu.memory_space<vmem>>, vector<16xi32>,
    %get3A_51 = arith.constant 1 : i32
    %get3A_52 = arith.index_cast %get3A_51 : i32 to index
    %get3A_53 = arith.constant 16 : index
    %get3A_54 = tpu.vector_load %arg7[%get3A_52, %get3A_53] {strides = array<i32>} : memref<3x80xi32, #tpu.memory_space<vmem>>, vector<1x16xi32>,
    %get3A_55 = vector.shape_cast %get3A_54 : vector<1x16xi32> to vector<16xi32>
    %mul3A_56 = arith.constant 10000 : i32
    %mul3A_57 = vector.broadcast %mul3A_56 : i32 to vector<16xi32>
    %mul3A_58 = arith.muli %get3A_55, %mul3A_57 : vector<16xi32>
    %get3A_59 = arith.constant 0 : i32
    %get3A_60 = arith.index_cast %get3A_59 : i32 to index
    %get3A_61 = arith.constant 16 : index
    %get3A_62 = tpu.vector_load %arg7[%get3A_60, %get3A_61] {strides = array<i32>} : memref<3x80xi32, #tpu.memory_space<vmem>>, vector<1x16xi32>,
    %get3A_63 = vector.shape_cast %get3A_62 : vector<1x16xi32> to vector<16xi32>
    %add3A_64 = arith.addi %mul3A_58, %get3A_63 : vector<16xi32>
    %add3A_65 = vector.broadcast %mul3A_0 : i32 to vector<16xi32>
    %add3A_66 = arith.addi %add3A_64, %add3A_65 : vector<16xi32>
    %swap3A_67 = arith.constant 16 : index
    %swap3A_68 = tpu.vector_load %arg9[%swap3A_67] {strides = array<i32>} : memref<80xi32, #tpu.memory_space<vmem>>, vector<16xi32>,
    %swap3A_69 = vector.shape_cast %swap3A_68 : vector<16xi32> to vector<16xi32>
    %swap3A_70 = vector.shape_cast %add3A_66 : vector<16xi32> to vector<16xi32>
    tpu.vector_store %arg9[%swap3A_67], %swap3A_70 {strides = array<i32>} : memref<80xi32, #tpu.memory_space<vmem>>, vector<16xi32>,
    %get3A_71 = arith.constant 1 : i32
    %get3A_72 = arith.index_cast %get3A_71 : i32 to index
    %get3A_73 = arith.constant 32 : index
    %get3A_74 = tpu.vector_load %arg7[%get3A_72, %get3A_73] {strides = array<i32>} : memref<3x80xi32, #tpu.memory_space<vmem>>, vector<1x16xi32>,
    %get3A_75 = vector.shape_cast %get3A_74 : vector<1x16xi32> to vector<16xi32>
    %mul3A_76 = arith.constant 10000 : i32
    %mul3A_77 = vector.broadcast %mul3A_76 : i32 to vector<16xi32>
    %mul3A_78 = arith.muli %get3A_75, %mul3A_77 : vector<16xi32>
    %get3A_79 = arith.constant 0 : i32
    %get3A_80 = arith.index_cast %get3A_79 : i32 to index
    %get3A_81 = arith.constant 32 : index
    %get3A_82 = tpu.vector_load %arg7[%get3A_80, %get3A_81] {strides = array<i32>} : memref<3x80xi32, #tpu.memory_space<vmem>>, vector<1x16xi32>,
    %get3A_83 = vector.shape_cast %get3A_82 : vector<1x16xi32> to vector<16xi32>
    %add3A_84 = arith.addi %mul3A_78, %get3A_83 : vector<16xi32>
    %add3A_85 = vector.broadcast %mul3A_0 : i32 to vector<16xi32>
    %add3A_86 = arith.addi %add3A_84, %add3A_85 : vector<16xi32>
    %swap3A_87 = arith.constant 32 : index
    %swap3A_88 = tpu.vector_load %arg9[%swap3A_87] {strides = array<i32>} : memref<80xi32, #tpu.memory_space<vmem>>, vector<16xi32>,
    %swap3A_89 = vector.shape_cast %swap3A_88 : vector<16xi32> to vector<16xi32>
    %swap3A_90 = vector.shape_cast %add3A_86 : vector<16xi32> to vector<16xi32>
    tpu.vector_store %arg9[%swap3A_87], %swap3A_90 {strides = array<i32>} : memref<80xi32, #tpu.memory_space<vmem>>, vector<16xi32>,
    %get3A_91 = arith.constant 1 : i32
    %get3A_92 = arith.index_cast %get3A_91 : i32 to index
    %get3A_93 = arith.constant 48 : index
    %get3A_94 = tpu.vector_load %arg7[%get3A_92, %get3A_93] {strides = array<i32>} : memref<3x80xi32, #tpu.memory_space<vmem>>, vector<1x16xi32>,
    %get3A_95 = vector.shape_cast %get3A_94 : vector<1x16xi32> to vector<16xi32>
    %mul3A_96 = arith.constant 10000 : i32
    %mul3A_97 = vector.broadcast %mul3A_96 : i32 to vector<16xi32>
    %mul3A_98 = arith.muli %get3A_95, %mul3A_97 : vector<16xi32>
    %get3A_99 = arith.constant 0 : i32
    %get3A_100 = arith.index_cast %get3A_99 : i32 to index
    %get3A_101 = arith.constant 48 : index
    %get3A_102 = tpu.vector_load %arg7[%get3A_100, %get3A_101] {strides = array<i32>} : memref<3x80xi32, #tpu.memory_space<vmem>>, vector<1x16xi32>,
    %get3A_103 = vector.shape_cast %get3A_102 : vector<1x16xi32> to vector<16xi32>
    %add3A_104 = arith.addi %mul3A_98, %get3A_103 : vector<16xi32>
    %add3A_105 = vector.broadcast %mul3A_0 : i32 to vector<16xi32>
    %add3A_106 = arith.addi %add3A_104, %add3A_105 : vector<16xi32>
    %swap3A_107 = arith.constant 48 : index
    %swap3A_108 = tpu.vector_load %arg9[%swap3A_107] {strides = array<i32>} : memref<80xi32, #tpu.memory_space<vmem>>, vector<16xi32>,
    %swap3A_109 = vector.shape_cast %swap3A_108 : vector<16xi32> to vector<16xi32>
    %swap3A_110 = vector.shape_cast %add3A_106 : vector<16xi32> to vector<16xi32>
    tpu.vector_store %arg9[%swap3A_107], %swap3A_110 {strides = array<i32>} : memref<80xi32, #tpu.memory_space<vmem>>, vector<16xi32>,
    %get3A_111 = arith.constant 1 : i32
    %get3A_112 = arith.index_cast %get3A_111 : i32 to index
    %get3A_113 = arith.constant 64 : index
    %get3A_114 = tpu.vector_load %arg7[%get3A_112, %get3A_113] {strides = array<i32>} : memref<3x80xi32, #tpu.memory_space<vmem>>, vector<1x16xi32>,
    %get3A_115 = vector.shape_cast %get3A_114 : vector<1x16xi32> to vector<16xi32>
    %mul3A_116 = arith.constant 10000 : i32
    %mul3A_117 = vector.broadcast %mul3A_116 : i32 to vector<16xi32>
    %mul3A_118 = arith.muli %get3A_115, %mul3A_117 : vector<16xi32>
    %get3A_119 = arith.constant 0 : i32
    %get3A_120 = arith.index_cast %get3A_119 : i32 to index
    %get3A_121 = arith.constant 64 : index
    %get3A_122 = tpu.vector_load %arg7[%get3A_120, %get3A_121] {strides = array<i32>} : memref<3x80xi32, #tpu.memory_space<vmem>>, vector<1x16xi32>,
    %get3A_123 = vector.shape_cast %get3A_122 : vector<1x16xi32> to vector<16xi32>
    %add3A_124 = arith.addi %mul3A_118, %get3A_123 : vector<16xi32>
    %add3A_125 = vector.broadcast %mul3A_0 : i32 to vector<16xi32>
    %add3A_126 = arith.addi %add3A_124, %add3A_125 : vector<16xi32>
    %swap3A_127 = arith.constant 64 : index
    %swap3A_128 = tpu.vector_load %arg9[%swap3A_127] {strides = array<i32>} : memref<80xi32, #tpu.memory_space<vmem>>, vector<16xi32>,
    %swap3A_129 = vector.shape_cast %swap3A_128 : vector<16xi32> to vector<16xi32>
    %swap3A_130 = vector.shape_cast %add3A_126 : vector<16xi32> to vector<16xi32>
    tpu.vector_store %arg9[%swap3A_127], %swap3A_130 {strides = array<i32>} : memref<80xi32, #tpu.memory_space<vmem>>, vector<16xi32>,
    %dma_start3A_131 = arith.constant 0 : i32
    %dma_start3A_132 = arith.constant 0 : i32
    %dma_start3A_133 = tpu.memref_slice %arg2[%dma_start3A_131, %dma_start3A_132] : memref<320000x128xf32, #tpu.memory_space<hbm>> -> memref<320000x128xf32, #tpu.memory_space<hbm>>
    tpu.enqueue_indirect_dma source(%dma_start3A_133 : memref<320000x128xf32, #tpu.memory_space<hbm>>) target(%arg11 : memref<80x128xf32, #tpu.memory_space<vmem>>) offsets(%arg9 : memref<80xi32, #tpu.memory_space<vmem>>) semaphore(%arg15 : memref<!tpu.dma_semaphore, #tpu.memory_space<semaphore_mem>>)
    %scan3A = arith.constant 0 : i32
    %scan3A_134 = arith.constant 125 : i32
    %scan3A_135 = arith.addi %scan3A, %scan3A_134 : i32
    %scan3A_136 = arith.constant 1 : i32
    scf.for %scan3A_146 = %scan3A to %scan3A_135 step %scan3A_136  : i32 {
      %mul3A_147 = arith.constant 1 : i32
      %mul3A_148 = arith.muli %scan3A_146, %mul3A_147 : i32
      %add3A_149 = arith.constant 0 : i32
      %add3A_150 = arith.addi %add3A_149, %mul3A_148 : i32
      %mul3A_151 = arith.constant 2 : i32
      %mul3A_152 = arith.muli %add3A_150, %mul3A_151 : i32
      %ge3A = arith.constant 124 : i32
      %ge3A_153 = arith.cmpi sge, %add3A_150, %ge3A : i32
      %dma_wait3A_154 = arith.constant 0 : i32
      %dma_wait3A_155 = arith.constant 0 : i32
      %dma_wait3A_156 = arith.constant 0 : i32
      %dma_wait3A_157 = tpu.memref_slice %arg3[%dma_wait3A_154, %dma_wait3A_155, %dma_wait3A_156] : memref<4000x3x80xi32, #tpu.memory_space<hbm>> -> memref<1x3x80xi32, #tpu.memory_space<hbm>>
      %dma_wait3A_158 = tpu.memref_squeeze %dma_wait3A_157 : memref<1x3x80xi32, #tpu.memory_space<hbm>> -> memref<3x80xi32, #tpu.memory_space<hbm>>
      %dma_wait3A_159 = arith.constant 0 : i32
      %dma_wait3A_160 = arith.constant 0 : i32
      %dma_wait3A_161 = tpu.memref_slice %arg3[%dma_wait3A_154, %dma_wait3A_159, %dma_wait3A_160] : memref<4000x3x80xi32, #tpu.memory_space<hbm>> -> memref<1x3x80xi32, #tpu.memory_space<hbm>>
      %dma_wait3A_162 = tpu.memref_squeeze %dma_wait3A_161 : memref<1x3x80xi32, #tpu.memory_space<hbm>> -> memref<3x80xi32, #tpu.memory_space<hbm>>
      tpu.wait_dma2 semaphore(%arg14 : memref<!tpu.dma_semaphore, #tpu.memory_space<semaphore_mem>>) src(%dma_wait3A_162 : memref<3x80xi32, #tpu.memory_space<hbm>>) dst(%arg8 : memref<3x80xi32, #tpu.memory_space<vmem>>)
      %get3A_163 = arith.constant 1 : i32
      %get3A_164 = arith.index_cast %get3A_163 : i32 to index
      %get3A_165 = arith.constant 0 : index
      %get3A_166 = tpu.vector_load %arg8[%get3A_164, %get3A_165] {strides = array<i32>} : memref<3x80xi32, #tpu.memory_space<vmem>>, vector<1x16xi32>,
      %get3A_167 = vector.shape_cast %get3A_166 : vector<1x16xi32> to vector<16xi32>
      %mul3A_168 = arith.constant 10000 : i32
      %mul3A_169 = vector.broadcast %mul3A_168 : i32 to vector<16xi32>
      %mul3A_170 = arith.muli %get3A_167, %mul3A_169 : vector<16xi32>
      %get3A_171 = arith.constant 0 : i32
      %get3A_172 = arith.index_cast %get3A_171 : i32 to index
      %get3A_173 = arith.constant 0 : index
      %get3A_174 = tpu.vector_load %arg8[%get3A_172, %get3A_173] {strides = array<i32>} : memref<3x80xi32, #tpu.memory_space<vmem>>, vector<1x16xi32>,
      %get3A_175 = vector.shape_cast %get3A_174 : vector<1x16xi32> to vector<16xi32>
      %add3A_176 = arith.addi %mul3A_170, %get3A_175 : vector<16xi32>
      %add3A_177 = vector.broadcast %mul3A_0 : i32 to vector<16xi32>
      %add3A_178 = arith.addi %add3A_176, %add3A_177 : vector<16xi32>
      %swap3A_179 = arith.constant 0 : index
      %swap3A_180 = tpu.vector_load %arg10[%swap3A_179] {strides = array<i32>} : memref<80xi32, #tpu.memory_space<vmem>>, vector<16xi32>,
      %swap3A_181 = vector.shape_cast %swap3A_180 : vector<16xi32> to vector<16xi32>
      %swap3A_182 = vector.shape_cast %add3A_178 : vector<16xi32> to vector<16xi32>
      tpu.vector_store %arg10[%swap3A_179], %swap3A_182 {strides = array<i32>} : memref<80xi32, #tpu.memory_space<vmem>>, vector<16xi32>,
      %get3A_183 = arith.constant 1 : i32
      %get3A_184 = arith.index_cast %get3A_183 : i32 to index
      %get3A_185 = arith.constant 16 : index
      %get3A_186 = tpu.vector_load %arg8[%get3A_184, %get3A_185] {strides = array<i32>} : memref<3x80xi32, #tpu.memory_space<vmem>>, vector<1x16xi32>,
      %get3A_187 = vector.shape_cast %get3A_186 : vector<1x16xi32> to vector<16xi32>
      %mul3A_188 = arith.constant 10000 : i32
      %mul3A_189 = vector.broadcast %mul3A_188 : i32 to vector<16xi32>
      %mul3A_190 = arith.muli %get3A_187, %mul3A_189 : vector<16xi32>
      %get3A_191 = arith.constant 0 : i32
      %get3A_192 = arith.index_cast %get3A_191 : i32 to index
      %get3A_193 = arith.constant 16 : index
      %get3A_194 = tpu.vector_load %arg8[%get3A_192, %get3A_193] {strides = array<i32>} : memref<3x80xi32, #tpu.memory_space<vmem>>, vector<1x16xi32>,
      %get3A_195 = vector.shape_cast %get3A_194 : vector<1x16xi32> to vector<16xi32>
      %add3A_196 = arith.addi %mul3A_190, %get3A_195 : vector<16xi32>
      %add3A_197 = vector.broadcast %mul3A_0 : i32 to vector<16xi32>
      %add3A_198 = arith.addi %add3A_196, %add3A_197 : vector<16xi32>
      %swap3A_199 = arith.constant 16 : index
      %swap3A_200 = tpu.vector_load %arg10[%swap3A_199] {strides = array<i32>} : memref<80xi32, #tpu.memory_space<vmem>>, vector<16xi32>,
      %swap3A_201 = vector.shape_cast %swap3A_200 : vector<16xi32> to vector<16xi32>
      %swap3A_202 = vector.shape_cast %add3A_198 : vector<16xi32> to vector<16xi32>
      tpu.vector_store %arg10[%swap3A_199], %swap3A_202 {strides = array<i32>} : memref<80xi32, #tpu.memory_space<vmem>>, vector<16xi32>,
      %get3A_203 = arith.constant 1 : i32
      %get3A_204 = arith.index_cast %get3A_203 : i32 to index
      %get3A_205 = arith.constant 32 : index
      %get3A_206 = tpu.vector_load %arg8[%get3A_204, %get3A_205] {strides = array<i32>} : memref<3x80xi32, #tpu.memory_space<vmem>>, vector<1x16xi32>,
      %get3A_207 = vector.shape_cast %get3A_206 : vector<1x16xi32> to vector<16xi32>
      %mul3A_208 = arith.constant 10000 : i32
      %mul3A_209 = vector.broadcast %mul3A_208 : i32 to vector<16xi32>
      %mul3A_210 = arith.muli %get3A_207, %mul3A_209 : vector<16xi32>
      %get3A_211 = arith.constant 0 : i32
      %get3A_212 = arith.index_cast %get3A_211 : i32 to index
      %get3A_213 = arith.constant 32 : index
      %get3A_214 = tpu.vector_load %arg8[%get3A_212, %get3A_213] {strides = array<i32>} : memref<3x80xi32, #tpu.memory_space<vmem>>, vector<1x16xi32>,
      %get3A_215 = vector.shape_cast %get3A_214 : vector<1x16xi32> to vector<16xi32>
      %add3A_216 = arith.addi %mul3A_210, %get3A_215 : vector<16xi32>
      %add3A_217 = vector.broadcast %mul3A_0 : i32 to vector<16xi32>
      %add3A_218 = arith.addi %add3A_216, %add3A_217 : vector<16xi32>
      %swap3A_219 = arith.constant 32 : index
      %swap3A_220 = tpu.vector_load %arg10[%swap3A_219] {strides = array<i32>} : memref<80xi32, #tpu.memory_space<vmem>>, vector<16xi32>,
      %swap3A_221 = vector.shape_cast %swap3A_220 : vector<16xi32> to vector<16xi32>
      %swap3A_222 = vector.shape_cast %add3A_218 : vector<16xi32> to vector<16xi32>
      tpu.vector_store %arg10[%swap3A_219], %swap3A_222 {strides = array<i32>} : memref<80xi32, #tpu.memory_space<vmem>>, vector<16xi32>,
      %get3A_223 = arith.constant 1 : i32
      %get3A_224 = arith.index_cast %get3A_223 : i32 to index
      %get3A_225 = arith.constant 48 : index
      %get3A_226 = tpu.vector_load %arg8[%get3A_224, %get3A_225] {strides = array<i32>} : memref<3x80xi32, #tpu.memory_space<vmem>>, vector<1x16xi32>,
      %get3A_227 = vector.shape_cast %get3A_226 : vector<1x16xi32> to vector<16xi32>
      %mul3A_228 = arith.constant 10000 : i32
      %mul3A_229 = vector.broadcast %mul3A_228 : i32 to vector<16xi32>
      %mul3A_230 = arith.muli %get3A_227, %mul3A_229 : vector<16xi32>
      %get3A_231 = arith.constant 0 : i32
      %get3A_232 = arith.index_cast %get3A_231 : i32 to index
      %get3A_233 = arith.constant 48 : index
      %get3A_234 = tpu.vector_load %arg8[%get3A_232, %get3A_233] {strides = array<i32>} : memref<3x80xi32, #tpu.memory_space<vmem>>, vector<1x16xi32>,
      %get3A_235 = vector.shape_cast %get3A_234 : vector<1x16xi32> to vector<16xi32>
      %add3A_236 = arith.addi %mul3A_230, %get3A_235 : vector<16xi32>
      %add3A_237 = vector.broadcast %mul3A_0 : i32 to vector<16xi32>
      %add3A_238 = arith.addi %add3A_236, %add3A_237 : vector<16xi32>
      %swap3A_239 = arith.constant 48 : index
      %swap3A_240 = tpu.vector_load %arg10[%swap3A_239] {strides = array<i32>} : memref<80xi32, #tpu.memory_space<vmem>>, vector<16xi32>,
      %swap3A_241 = vector.shape_cast %swap3A_240 : vector<16xi32> to vector<16xi32>
      %swap3A_242 = vector.shape_cast %add3A_238 : vector<16xi32> to vector<16xi32>
      tpu.vector_store %arg10[%swap3A_239], %swap3A_242 {strides = array<i32>} : memref<80xi32, #tpu.memory_space<vmem>>, vector<16xi32>,
      %get3A_243 = arith.constant 1 : i32
      %get3A_244 = arith.index_cast %get3A_243 : i32 to index
      %get3A_245 = arith.constant 64 : index
      %get3A_246 = tpu.vector_load %arg8[%get3A_244, %get3A_245] {strides = array<i32>} : memref<3x80xi32, #tpu.memory_space<vmem>>, vector<1x16xi32>,
      %get3A_247 = vector.shape_cast %get3A_246 : vector<1x16xi32> to vector<16xi32>
      %mul3A_248 = arith.constant 10000 : i32
      %mul3A_249 = vector.broadcast %mul3A_248 : i32 to vector<16xi32>
      %mul3A_250 = arith.muli %get3A_247, %mul3A_249 : vector<16xi32>
      %get3A_251 = arith.constant 0 : i32
      %get3A_252 = arith.index_cast %get3A_251 : i32 to index
      %get3A_253 = arith.constant 64 : index
      %get3A_254 = tpu.vector_load %arg8[%get3A_252, %get3A_253] {strides = array<i32>} : memref<3x80xi32, #tpu.memory_space<vmem>>, vector<1x16xi32>,
      %get3A_255 = vector.shape_cast %get3A_254 : vector<1x16xi32> to vector<16xi32>
      %add3A_256 = arith.addi %mul3A_250, %get3A_255 : vector<16xi32>
      %add3A_257 = vector.broadcast %mul3A_0 : i32 to vector<16xi32>
      %add3A_258 = arith.addi %add3A_256, %add3A_257 : vector<16xi32>
      %swap3A_259 = arith.constant 64 : index
      %swap3A_260 = tpu.vector_load %arg10[%swap3A_259] {strides = array<i32>} : memref<80xi32, #tpu.memory_space<vmem>>, vector<16xi32>,
      %swap3A_261 = vector.shape_cast %swap3A_260 : vector<16xi32> to vector<16xi32>
      %swap3A_262 = vector.shape_cast %add3A_258 : vector<16xi32> to vector<16xi32>
      tpu.vector_store %arg10[%swap3A_259], %swap3A_262 {strides = array<i32>} : memref<80xi32, #tpu.memory_space<vmem>>, vector<16xi32>,
      %dma_start3A_263 = arith.constant 0 : i32
      %dma_start3A_264 = arith.constant 0 : i32
      %dma_start3A_265 = tpu.memref_slice %arg2[%dma_start3A_263, %dma_start3A_264] : memref<320000x128xf32, #tpu.memory_space<hbm>> -> memref<320000x128xf32, #tpu.memory_space<hbm>>
      tpu.enqueue_indirect_dma source(%dma_start3A_265 : memref<320000x128xf32, #tpu.memory_space<hbm>>) target(%arg12 : memref<80x128xf32, #tpu.memory_space<vmem>>) offsets(%arg10 : memref<80xi32, #tpu.memory_space<vmem>>) semaphore(%arg16 : memref<!tpu.dma_semaphore, #tpu.memory_space<semaphore_mem>>)
      %dma_wait3A_266 = arith.constant 0 : i32
      %dma_wait3A_267 = arith.constant 0 : i32
      %dma_wait3A_268 = tpu.memref_slice %arg2[%dma_wait3A_266, %dma_wait3A_267] : memref<320000x128xf32, #tpu.memory_space<hbm>> -> memref<320000x128xf32, #tpu.memory_space<hbm>>
      tpu.wait_indirect_dma semaphore(%arg15 : memref<!tpu.dma_semaphore, #tpu.memory_space<semaphore_mem>>) src(%dma_wait3A_268 : memref<320000x128xf32, #tpu.memory_space<hbm>>) dst(%arg11 : memref<80x128xf32, #tpu.memory_space<vmem>>)
      %run_scoped3A = arith.constant 2 : i32
      "tpu.region"() ({
        %run_scoped3A_285 = tpu.sem_alloc : memref<!tpu.dma_semaphore, #tpu.memory_space<semaphore_mem>>
        %dma_start3A_286 = arith.constant 0 : i32
        %dma_start3A_287 = tpu.memref_slice %arg7[%run_scoped3A, %dma_start3A_286] : memref<3x80xi32, #tpu.memory_space<vmem>> -> memref<1x80xi32, #tpu.memory_space<vmem>>
        %dma_start3A_288 = tpu.memref_squeeze %dma_start3A_287 : memref<1x80xi32, #tpu.memory_space<vmem>> -> memref<80xi32, #tpu.memory_space<vmem>>
        %dma_start3A_289 = arith.constant 0 : i32
        %dma_start3A_290 = arith.constant 0 : i32
        %dma_start3A_291 = tpu.memref_slice %arg6[%dma_start3A_289, %dma_start3A_290] : memref<10112x128xf32, #tpu.memory_space<vmem_shared>> -> memref<10112x128xf32, #tpu.memory_space<vmem_shared>>
        tpu.enqueue_indirect_dma source(%arg11 : memref<80x128xf32, #tpu.memory_space<vmem>>) target(%dma_start3A_291 : memref<10112x128xf32, #tpu.memory_space<vmem_shared>>) offsets(%dma_start3A_288 : memref<80xi32, #tpu.memory_space<vmem>>) semaphore(%run_scoped3A_285 : memref<!tpu.dma_semaphore, #tpu.memory_space<semaphore_mem>>) {add = true}
        %dma_wait3A_292 = arith.constant 0 : i32
        %dma_wait3A_293 = tpu.memref_slice %arg7[%run_scoped3A, %dma_wait3A_292] : memref<3x80xi32, #tpu.memory_space<vmem>> -> memref<1x80xi32, #tpu.memory_space<vmem>>
        %dma_wait3A_294 = tpu.memref_squeeze %dma_wait3A_293 : memref<1x80xi32, #tpu.memory_space<vmem>> -> memref<80xi32, #tpu.memory_space<vmem>>
        %dma_wait3A_295 = arith.constant 0 : i32
        %dma_wait3A_296 = arith.constant 0 : i32
        %dma_wait3A_297 = tpu.memref_slice %arg6[%dma_wait3A_295, %dma_wait3A_296] : memref<10112x128xf32, #tpu.memory_space<vmem_shared>> -> memref<10112x128xf32, #tpu.memory_space<vmem_shared>>
        tpu.wait_indirect_dma semaphore(%run_scoped3A_285 : memref<!tpu.dma_semaphore, #tpu.memory_space<semaphore_mem>>) src(%arg11 : memref<80x128xf32, #tpu.memory_space<vmem>>) dst(%dma_wait3A_297 : memref<10112x128xf32, #tpu.memory_space<vmem_shared>>)
        tpu.yield
      }) : () -> ()
      %not3A = arith.constant true
      %not3A_269 = arith.xori %ge3A_153, %not3A : i1
      %convert_element_type3A = arith.extui %not3A_269 : i1 to i32
      %cond3A = arith.constant 0 : i32
      %cond3A_270 = arith.cmpi ne, %convert_element_type3A, %cond3A : i32
      scf.if %cond3A_270 {
        %add3A_285 = arith.constant 2 : i32
        %add3A_286 = arith.addi %mul3A_152, %add3A_285 : i32
        %add3A_287 = arith.addi %mul3A_2, %add3A_286 : i32
        %dma_start3A_288 = arith.constant 0 : i32
        %dma_start3A_289 = arith.constant 0 : i32
        %dma_start3A_290 = tpu.memref_slice %arg3[%add3A_287, %dma_start3A_288, %dma_start3A_289] : memref<4000x3x80xi32, #tpu.memory_space<hbm>> -> memref<1x3x80xi32, #tpu.memory_space<hbm>>
        %dma_start3A_291 = tpu.memref_squeeze %dma_start3A_290 : memref<1x3x80xi32, #tpu.memory_space<hbm>> -> memref<3x80xi32, #tpu.memory_space<hbm>>
        %dma_start3A_292 = arith.constant 0 : i32
        %dma_start3A_293 = arith.constant 0 : i32
        %dma_start3A_294 = tpu.memref_slice %arg3[%add3A_287, %dma_start3A_292, %dma_start3A_293] : memref<4000x3x80xi32, #tpu.memory_space<hbm>> -> memref<1x3x80xi32, #tpu.memory_space<hbm>>
        %dma_start3A_295 = tpu.memref_squeeze %dma_start3A_294 : memref<1x3x80xi32, #tpu.memory_space<hbm>> -> memref<3x80xi32, #tpu.memory_space<hbm>>
        tpu.enqueue_dma source(%dma_start3A_295 : memref<3x80xi32, #tpu.memory_space<hbm>>) target(%arg7 : memref<3x80xi32, #tpu.memory_space<vmem>>) target_semaphore(%arg13 : memref<!tpu.dma_semaphore, #tpu.memory_space<semaphore_mem>>)
      } else {
      }
      %not3A_271 = arith.constant true
      %not3A_272 = arith.xori %ge3A_153, %not3A_271 : i1
      %convert_element_type3A_273 = arith.extui %not3A_272 : i1 to i32
      %cond3A_274 = arith.constant 0 : i32
      %cond3A_275 = arith.cmpi ne, %convert_element_type3A_273, %cond3A_274 : i32
      scf.if %cond3A_275 {
        %dma_wait3A_285 = arith.constant 0 : i32
        %dma_wait3A_286 = arith.constant 0 : i32
        %dma_wait3A_287 = arith.constant 0 : i32
        %dma_wait3A_288 = tpu.memref_slice %arg3[%dma_wait3A_285, %dma_wait3A_286, %dma_wait3A_287] : memref<4000x3x80xi32, #tpu.memory_space<hbm>> -> memref<1x3x80xi32, #tpu.memory_space<hbm>>
        %dma_wait3A_289 = tpu.memref_squeeze %dma_wait3A_288 : memref<1x3x80xi32, #tpu.memory_space<hbm>> -> memref<3x80xi32, #tpu.memory_space<hbm>>
        %dma_wait3A_290 = arith.constant 0 : i32
        %dma_wait3A_291 = arith.constant 0 : i32
        %dma_wait3A_292 = tpu.memref_slice %arg3[%dma_wait3A_285, %dma_wait3A_290, %dma_wait3A_291] : memref<4000x3x80xi32, #tpu.memory_space<hbm>> -> memref<1x3x80xi32, #tpu.memory_space<hbm>>
        %dma_wait3A_293 = tpu.memref_squeeze %dma_wait3A_292 : memref<1x3x80xi32, #tpu.memory_space<hbm>> -> memref<3x80xi32, #tpu.memory_space<hbm>>
        tpu.wait_dma2 semaphore(%arg13 : memref<!tpu.dma_semaphore, #tpu.memory_space<semaphore_mem>>) src(%dma_wait3A_293 : memref<3x80xi32, #tpu.memory_space<hbm>>) dst(%arg7 : memref<3x80xi32, #tpu.memory_space<vmem>>)
        %get3A_294 = arith.constant 1 : i32
        %get3A_295 = arith.index_cast %get3A_294 : i32 to index
        %get3A_296 = arith.constant 0 : index
        %get3A_297 = tpu.vector_load %arg7[%get3A_295, %get3A_296] {strides = array<i32>} : memref<3x80xi32, #tpu.memory_space<vmem>>, vector<1x16xi32>,
        %get3A_298 = vector.shape_cast %get3A_297 : vector<1x16xi32> to vector<16xi32>
        %mul3A_299 = arith.constant 10000 : i32
        %mul3A_300 = vector.broadcast %mul3A_299 : i32 to vector<16xi32>
        %mul3A_301 = arith.muli %get3A_298, %mul3A_300 : vector<16xi32>
        %get3A_302 = arith.constant 0 : i32
        %get3A_303 = arith.index_cast %get3A_302 : i32 to index
        %get3A_304 = arith.constant 0 : index
        %get3A_305 = tpu.vector_load %arg7[%get3A_303, %get3A_304] {strides = array<i32>} : memref<3x80xi32, #tpu.memory_space<vmem>>, vector<1x16xi32>,
        %get3A_306 = vector.shape_cast %get3A_305 : vector<1x16xi32> to vector<16xi32>
        %add3A_307 = arith.addi %mul3A_301, %get3A_306 : vector<16xi32>
        %add3A_308 = vector.broadcast %mul3A_0 : i32 to vector<16xi32>
        %add3A_309 = arith.addi %add3A_307, %add3A_308 : vector<16xi32>
        %swap3A_310 = arith.constant 0 : index
        %swap3A_311 = tpu.vector_load %arg9[%swap3A_310] {strides = array<i32>} : memref<80xi32, #tpu.memory_space<vmem>>, vector<16xi32>,
        %swap3A_312 = vector.shape_cast %swap3A_311 : vector<16xi32> to vector<16xi32>
        %swap3A_313 = vector.shape_cast %add3A_309 : vector<16xi32> to vector<16xi32>
        tpu.vector_store %arg9[%swap3A_310], %swap3A_313 {strides = array<i32>} : memref<80xi32, #tpu.memory_space<vmem>>, vector<16xi32>,
        %get3A_314 = arith.constant 1 : i32
        %get3A_315 = arith.index_cast %get3A_314 : i32 to index
        %get3A_316 = arith.constant 16 : index
        %get3A_317 = tpu.vector_load %arg7[%get3A_315, %get3A_316] {strides = array<i32>} : memref<3x80xi32, #tpu.memory_space<vmem>>, vector<1x16xi32>,
        %get3A_318 = vector.shape_cast %get3A_317 : vector<1x16xi32> to vector<16xi32>
        %mul3A_319 = arith.constant 10000 : i32
        %mul3A_320 = vector.broadcast %mul3A_319 : i32 to vector<16xi32>
        %mul3A_321 = arith.muli %get3A_318, %mul3A_320 : vector<16xi32>
        %get3A_322 = arith.constant 0 : i32
        %get3A_323 = arith.index_cast %get3A_322 : i32 to index
        %get3A_324 = arith.constant 16 : index
        %get3A_325 = tpu.vector_load %arg7[%get3A_323, %get3A_324] {strides = array<i32>} : memref<3x80xi32, #tpu.memory_space<vmem>>, vector<1x16xi32>,
        %get3A_326 = vector.shape_cast %get3A_325 : vector<1x16xi32> to vector<16xi32>
        %add3A_327 = arith.addi %mul3A_321, %get3A_326 : vector<16xi32>
        %add3A_328 = vector.broadcast %mul3A_0 : i32 to vector<16xi32>
        %add3A_329 = arith.addi %add3A_327, %add3A_328 : vector<16xi32>
        %swap3A_330 = arith.constant 16 : index
        %swap3A_331 = tpu.vector_load %arg9[%swap3A_330] {strides = array<i32>} : memref<80xi32, #tpu.memory_space<vmem>>, vector<16xi32>,
        %swap3A_332 = vector.shape_cast %swap3A_331 : vector<16xi32> to vector<16xi32>
        %swap3A_333 = vector.shape_cast %add3A_329 : vector<16xi32> to vector<16xi32>
        tpu.vector_store %arg9[%swap3A_330], %swap3A_333 {strides = array<i32>} : memref<80xi32, #tpu.memory_space<vmem>>, vector<16xi32>,
        %get3A_334 = arith.constant 1 : i32
        %get3A_335 = arith.index_cast %get3A_334 : i32 to index
        %get3A_336 = arith.constant 32 : index
        %get3A_337 = tpu.vector_load %arg7[%get3A_335, %get3A_336] {strides = array<i32>} : memref<3x80xi32, #tpu.memory_space<vmem>>, vector<1x16xi32>,
        %get3A_338 = vector.shape_cast %get3A_337 : vector<1x16xi32> to vector<16xi32>
        %mul3A_339 = arith.constant 10000 : i32
        %mul3A_340 = vector.broadcast %mul3A_339 : i32 to vector<16xi32>
        %mul3A_341 = arith.muli %get3A_338, %mul3A_340 : vector<16xi32>
        %get3A_342 = arith.constant 0 : i32
        %get3A_343 = arith.index_cast %get3A_342 : i32 to index
        %get3A_344 = arith.constant 32 : index
        %get3A_345 = tpu.vector_load %arg7[%get3A_343, %get3A_344] {strides = array<i32>} : memref<3x80xi32, #tpu.memory_space<vmem>>, vector<1x16xi32>,
        %get3A_346 = vector.shape_cast %get3A_345 : vector<1x16xi32> to vector<16xi32>
        %add3A_347 = arith.addi %mul3A_341, %get3A_346 : vector<16xi32>
        %add3A_348 = vector.broadcast %mul3A_0 : i32 to vector<16xi32>
        %add3A_349 = arith.addi %add3A_347, %add3A_348 : vector<16xi32>
        %swap3A_350 = arith.constant 32 : index
        %swap3A_351 = tpu.vector_load %arg9[%swap3A_350] {strides = array<i32>} : memref<80xi32, #tpu.memory_space<vmem>>, vector<16xi32>,
        %swap3A_352 = vector.shape_cast %swap3A_351 : vector<16xi32> to vector<16xi32>
        %swap3A_353 = vector.shape_cast %add3A_349 : vector<16xi32> to vector<16xi32>
        tpu.vector_store %arg9[%swap3A_350], %swap3A_353 {strides = array<i32>} : memref<80xi32, #tpu.memory_space<vmem>>, vector<16xi32>,
        %get3A_354 = arith.constant 1 : i32
        %get3A_355 = arith.index_cast %get3A_354 : i32 to index
        %get3A_356 = arith.constant 48 : index
        %get3A_357 = tpu.vector_load %arg7[%get3A_355, %get3A_356] {strides = array<i32>} : memref<3x80xi32, #tpu.memory_space<vmem>>, vector<1x16xi32>,
        %get3A_358 = vector.shape_cast %get3A_357 : vector<1x16xi32> to vector<16xi32>
        %mul3A_359 = arith.constant 10000 : i32
        %mul3A_360 = vector.broadcast %mul3A_359 : i32 to vector<16xi32>
        %mul3A_361 = arith.muli %get3A_358, %mul3A_360 : vector<16xi32>
        %get3A_362 = arith.constant 0 : i32
        %get3A_363 = arith.index_cast %get3A_362 : i32 to index
        %get3A_364 = arith.constant 48 : index
        %get3A_365 = tpu.vector_load %arg7[%get3A_363, %get3A_364] {strides = array<i32>} : memref<3x80xi32, #tpu.memory_space<vmem>>, vector<1x16xi32>,
        %get3A_366 = vector.shape_cast %get3A_365 : vector<1x16xi32> to vector<16xi32>
        %add3A_367 = arith.addi %mul3A_361, %get3A_366 : vector<16xi32>
        %add3A_368 = vector.broadcast %mul3A_0 : i32 to vector<16xi32>
        %add3A_369 = arith.addi %add3A_367, %add3A_368 : vector<16xi32>
        %swap3A_370 = arith.constant 48 : index
        %swap3A_371 = tpu.vector_load %arg9[%swap3A_370] {strides = array<i32>} : memref<80xi32, #tpu.memory_space<vmem>>, vector<16xi32>,
        %swap3A_372 = vector.shape_cast %swap3A_371 : vector<16xi32> to vector<16xi32>
        %swap3A_373 = vector.shape_cast %add3A_369 : vector<16xi32> to vector<16xi32>
        tpu.vector_store %arg9[%swap3A_370], %swap3A_373 {strides = array<i32>} : memref<80xi32, #tpu.memory_space<vmem>>, vector<16xi32>,
        %get3A_374 = arith.constant 1 : i32
        %get3A_375 = arith.index_cast %get3A_374 : i32 to index
        %get3A_376 = arith.constant 64 : index
        %get3A_377 = tpu.vector_load %arg7[%get3A_375, %get3A_376] {strides = array<i32>} : memref<3x80xi32, #tpu.memory_space<vmem>>, vector<1x16xi32>,
        %get3A_378 = vector.shape_cast %get3A_377 : vector<1x16xi32> to vector<16xi32>
        %mul3A_379 = arith.constant 10000 : i32
        %mul3A_380 = vector.broadcast %mul3A_379 : i32 to vector<16xi32>
        %mul3A_381 = arith.muli %get3A_378, %mul3A_380 : vector<16xi32>
        %get3A_382 = arith.constant 0 : i32
        %get3A_383 = arith.index_cast %get3A_382 : i32 to index
        %get3A_384 = arith.constant 64 : index
        %get3A_385 = tpu.vector_load %arg7[%get3A_383, %get3A_384] {strides = array<i32>} : memref<3x80xi32, #tpu.memory_space<vmem>>, vector<1x16xi32>,
        %get3A_386 = vector.shape_cast %get3A_385 : vector<1x16xi32> to vector<16xi32>
        %add3A_387 = arith.addi %mul3A_381, %get3A_386 : vector<16xi32>
        %add3A_388 = vector.broadcast %mul3A_0 : i32 to vector<16xi32>
        %add3A_389 = arith.addi %add3A_387, %add3A_388 : vector<16xi32>
        %swap3A_390 = arith.constant 64 : index
        %swap3A_391 = tpu.vector_load %arg9[%swap3A_390] {strides = array<i32>} : memref<80xi32, #tpu.memory_space<vmem>>, vector<16xi32>,
        %swap3A_392 = vector.shape_cast %swap3A_391 : vector<16xi32> to vector<16xi32>
        %swap3A_393 = vector.shape_cast %add3A_389 : vector<16xi32> to vector<16xi32>
        tpu.vector_store %arg9[%swap3A_390], %swap3A_393 {strides = array<i32>} : memref<80xi32, #tpu.memory_space<vmem>>, vector<16xi32>,
        %dma_start3A_394 = arith.constant 0 : i32
        %dma_start3A_395 = arith.constant 0 : i32
        %dma_start3A_396 = tpu.memref_slice %arg2[%dma_start3A_394, %dma_start3A_395] : memref<320000x128xf32, #tpu.memory_space<hbm>> -> memref<320000x128xf32, #tpu.memory_space<hbm>>
        tpu.enqueue_indirect_dma source(%dma_start3A_396 : memref<320000x128xf32, #tpu.memory_space<hbm>>) target(%arg11 : memref<80x128xf32, #tpu.memory_space<vmem>>) offsets(%arg9 : memref<80xi32, #tpu.memory_space<vmem>>) semaphore(%arg15 : memref<!tpu.dma_semaphore, #tpu.memory_space<semaphore_mem>>)
      } else {
      }
      %dma_wait3A_276 = arith.constant 0 : i32
      %dma_wait3A_277 = arith.constant 0 : i32
      %dma_wait3A_278 = tpu.memref_slice %arg2[%dma_wait3A_276, %dma_wait3A_277] : memref<320000x128xf32, #tpu.memory_space<hbm>> -> memref<320000x128xf32, #tpu.memory_space<hbm>>
      tpu.wait_indirect_dma semaphore(%arg16 : memref<!tpu.dma_semaphore, #tpu.memory_space<semaphore_mem>>) src(%dma_wait3A_278 : memref<320000x128xf32, #tpu.memory_space<hbm>>) dst(%arg12 : memref<80x128xf32, #tpu.memory_space<vmem>>)
      %run_scoped3A_279 = arith.constant 2 : i32
      "tpu.region"() ({
        %run_scoped3A_285 = tpu.sem_alloc : memref<!tpu.dma_semaphore, #tpu.memory_space<semaphore_mem>>
        %dma_start3A_286 = arith.constant 0 : i32
        %dma_start3A_287 = tpu.memref_slice %arg8[%run_scoped3A_279, %dma_start3A_286] : memref<3x80xi32, #tpu.memory_space<vmem>> -> memref<1x80xi32, #tpu.memory_space<vmem>>
        %dma_start3A_288 = tpu.memref_squeeze %dma_start3A_287 : memref<1x80xi32, #tpu.memory_space<vmem>> -> memref<80xi32, #tpu.memory_space<vmem>>
        %dma_start3A_289 = arith.constant 0 : i32
        %dma_start3A_290 = arith.constant 0 : i32
        %dma_start3A_291 = tpu.memref_slice %arg6[%dma_start3A_289, %dma_start3A_290] : memref<10112x128xf32, #tpu.memory_space<vmem_shared>> -> memref<10112x128xf32, #tpu.memory_space<vmem_shared>>
        tpu.enqueue_indirect_dma source(%arg12 : memref<80x128xf32, #tpu.memory_space<vmem>>) target(%dma_start3A_291 : memref<10112x128xf32, #tpu.memory_space<vmem_shared>>) offsets(%dma_start3A_288 : memref<80xi32, #tpu.memory_space<vmem>>) semaphore(%run_scoped3A_285 : memref<!tpu.dma_semaphore, #tpu.memory_space<semaphore_mem>>) {add = true}
        %dma_wait3A_292 = arith.constant 0 : i32
        %dma_wait3A_293 = tpu.memref_slice %arg8[%run_scoped3A_279, %dma_wait3A_292] : memref<3x80xi32, #tpu.memory_space<vmem>> -> memref<1x80xi32, #tpu.memory_space<vmem>>
        %dma_wait3A_294 = tpu.memref_squeeze %dma_wait3A_293 : memref<1x80xi32, #tpu.memory_space<vmem>> -> memref<80xi32, #tpu.memory_space<vmem>>
        %dma_wait3A_295 = arith.constant 0 : i32
        %dma_wait3A_296 = arith.constant 0 : i32
        %dma_wait3A_297 = tpu.memref_slice %arg6[%dma_wait3A_295, %dma_wait3A_296] : memref<10112x128xf32, #tpu.memory_space<vmem_shared>> -> memref<10112x128xf32, #tpu.memory_space<vmem_shared>>
        tpu.wait_indirect_dma semaphore(%run_scoped3A_285 : memref<!tpu.dma_semaphore, #tpu.memory_space<semaphore_mem>>) src(%arg12 : memref<80x128xf32, #tpu.memory_space<vmem>>) dst(%dma_wait3A_297 : memref<10112x128xf32, #tpu.memory_space<vmem_shared>>)
        tpu.yield
      }) : () -> ()
      %not3A_280 = arith.constant true
      %not3A_281 = arith.xori %ge3A_153, %not3A_280 : i1
      %convert_element_type3A_282 = arith.extui %not3A_281 : i1 to i32
      %cond3A_283 = arith.constant 0 : i32
      %cond3A_284 = arith.cmpi ne, %convert_element_type3A_282, %cond3A_283 : i32
      scf.if %cond3A_284 {
        %add3A_285 = arith.constant 3 : i32
        %add3A_286 = arith.addi %mul3A_152, %add3A_285 : i32
        %add3A_287 = arith.addi %mul3A_2, %add3A_286 : i32
        %dma_start3A_288 = arith.constant 0 : i32
        %dma_start3A_289 = arith.constant 0 : i32
        %dma_start3A_290 = tpu.memref_slice %arg3[%add3A_287, %dma_start3A_288, %dma_start3A_289] : memref<4000x3x80xi32, #tpu.memory_space<hbm>> -> memref<1x3x80xi32, #tpu.memory_space<hbm>>
        %dma_start3A_291 = tpu.memref_squeeze %dma_start3A_290 : memref<1x3x80xi32, #tpu.memory_space<hbm>> -> memref<3x80xi32, #tpu.memory_space<hbm>>
        %dma_start3A_292 = arith.constant 0 : i32
        %dma_start3A_293 = arith.constant 0 : i32
        %dma_start3A_294 = tpu.memref_slice %arg3[%add3A_287, %dma_start3A_292, %dma_start3A_293] : memref<4000x3x80xi32, #tpu.memory_space<hbm>> -> memref<1x3x80xi32, #tpu.memory_space<hbm>>
        %dma_start3A_295 = tpu.memref_squeeze %dma_start3A_294 : memref<1x3x80xi32, #tpu.memory_space<hbm>> -> memref<3x80xi32, #tpu.memory_space<hbm>>
        tpu.enqueue_dma source(%dma_start3A_295 : memref<3x80xi32, #tpu.memory_space<hbm>>) target(%arg8 : memref<3x80xi32, #tpu.memory_space<vmem>>) target_semaphore(%arg14 : memref<!tpu.dma_semaphore, #tpu.memory_space<semaphore_mem>>)
      } else {
      }
    }
    %scan3A_137 = arith.constant 125 : i32
    %barrier3A_138 = arith.constant 0 : index
    tpu.barrier barrier_id(%barrier3A_138)
    %mul3A_139 = arith.constant 632 : i32
    %mul3A_140 = arith.muli %arg1, %mul3A_139 : i32
    %mul3A_141 = arith.constant 10112 : i32
    %mul3A_142 = arith.muli %arg0, %mul3A_141 : i32
    %mul3A_143 = arith.constant 632 : i32
    %mul3A_144 = arith.muli %arg1, %mul3A_143 : i32
    %add3A_145 = arith.addi %mul3A_142, %mul3A_144 : i32
    "tpu.region"() ({
      %run_scoped3A = tpu.sem_alloc : memref<!tpu.dma_semaphore, #tpu.memory_space<semaphore_mem>>
      %dma_start3A_146 = arith.constant 0 : i32
      %dma_start3A_147 = tpu.memref_slice %arg5[%add3A_145, %dma_start3A_146] : memref<20224x128xf32, #tpu.memory_space<hbm>> -> memref<632x128xf32, #tpu.memory_space<hbm>>
      %dma_start3A_148 = arith.constant 0 : i32
      %dma_start3A_149 = tpu.memref_slice %arg6[%mul3A_140, %dma_start3A_148] : memref<10112x128xf32, #tpu.memory_space<vmem_shared>> -> memref<632x128xf32, #tpu.memory_space<vmem_shared>>
      tpu.enqueue_dma source(%dma_start3A_149 : memref<632x128xf32, #tpu.memory_space<vmem_shared>>) target(%dma_start3A_147 : memref<632x128xf32, #tpu.memory_space<hbm>>) target_semaphore(%run_scoped3A : memref<!tpu.dma_semaphore, #tpu.memory_space<semaphore_mem>>)
      %dma_wait3A_150 = arith.constant 0 : i32
      %dma_wait3A_151 = tpu.memref_slice %arg5[%add3A_145, %dma_wait3A_150] : memref<20224x128xf32, #tpu.memory_space<hbm>> -> memref<632x128xf32, #tpu.memory_space<hbm>>
      %dma_wait3A_152 = arith.constant 0 : i32
      %dma_wait3A_153 = tpu.memref_slice %arg6[%mul3A_140, %dma_wait3A_152] : memref<10112x128xf32, #tpu.memory_space<vmem_shared>> -> memref<632x128xf32, #tpu.memory_space<vmem_shared>>
      tpu.wait_dma2 semaphore(%run_scoped3A : memref<!tpu.dma_semaphore, #tpu.memory_space<semaphore_mem>>) src(%dma_wait3A_153 : memref<632x128xf32, #tpu.memory_space<vmem_shared>>) dst(%dma_wait3A_151 : memref<632x128xf32, #tpu.memory_space<hbm>>)
      tpu.yield
    }) : () -> ()
    return
  }
}

module attributes {stable_mosaic.version = 14 : i64} {
  func.func @_zr_body(%arg0: memref<2x128xf32, #tpu.memory_space<vmem>>, %arg1: memref<128x2048xf32, #tpu.memory_space<vmem>>, %arg2: memref<1x2048xf32, #tpu.memory_space<vmem>>, %arg3: memref<128x2048xf32, #tpu.memory_space<vmem>>, %arg4: memref<1x2048xf32, #tpu.memory_space<vmem>>, %arg5: memref<2x2048xf32, #tpu.memory_space<vmem>>, %arg6: memref<2x2048xf32, #tpu.memory_space<vmem>>) attributes {dimension_semantics = [], scalar_prefetch = 0 : i64, scratch_operands = 0 : i64, tpu.core_type = #tpu.core_type<tc>} {
    %get3A = arith.constant 0 : index
    %get3A_0 = arith.constant 0 : index
    %get3A_1 = vector.load %arg0[%get3A, %get3A_0] : memref<2x128xf32, #tpu.memory_space<vmem>>, vector<2x128xf32>
    %get3A_2 = arith.constant 0 : index
    %get3A_3 = arith.constant 0 : index
    %get3A_4 = vector.load %arg1[%get3A_2, %get3A_3] : memref<128x2048xf32, #tpu.memory_space<vmem>>, vector<128x2048xf32>
    %dot_general3A = arith.constant dense<0.000000e+00> : vector<2x2048xf32>
    %dot_general3A_5 = tpu.matmul %get3A_1, %get3A_4, %dot_general3A {dimension_numbers = #tpu.dot_dimension_numbers<[1], [0], [0], [1], [0, 0, 1, 1], [], []>, transpose_lhs_hint = false} : vector<2x128xf32>, vector<128x2048xf32>, vector<2x2048xf32> -> vector<2x2048xf32>
    %get3A_6 = arith.constant 0 : index
    %get3A_7 = arith.constant 0 : index
    %get3A_8 = vector.load %arg2[%get3A_6, %get3A_7] : memref<1x2048xf32, #tpu.memory_space<vmem>>, vector<1x2048xf32>
    %add3A = vector.broadcast %get3A_8 : vector<1x2048xf32> to vector<2x2048xf32>
    %add3A_9 = arith.addf %dot_general3A_5, %add3A : vector<2x2048xf32>
    %swap3A = arith.constant 0 : index
    %swap3A_10 = arith.constant 0 : index
    %swap3A_11 = vector.load %arg5[%swap3A, %swap3A_10] : memref<2x2048xf32, #tpu.memory_space<vmem>>, vector<2x2048xf32>
    tpu.vector_store %arg5[%swap3A, %swap3A_10], %add3A_9 {strides = array<i32>} : memref<2x2048xf32, #tpu.memory_space<vmem>>, vector<2x2048xf32>,
    %get3A_12 = arith.constant 0 : index
    %get3A_13 = arith.constant 0 : index
    %get3A_14 = vector.load %arg3[%get3A_12, %get3A_13] : memref<128x2048xf32, #tpu.memory_space<vmem>>, vector<128x2048xf32>
    %dot_general3A_15 = arith.constant dense<0.000000e+00> : vector<2x2048xf32>
    %dot_general3A_16 = tpu.matmul %get3A_1, %get3A_14, %dot_general3A_15 {dimension_numbers = #tpu.dot_dimension_numbers<[1], [0], [0], [1], [0, 0, 1, 1], [], []>, transpose_lhs_hint = false} : vector<2x128xf32>, vector<128x2048xf32>, vector<2x2048xf32> -> vector<2x2048xf32>
    %get3A_17 = arith.constant 0 : index
    %get3A_18 = arith.constant 0 : index
    %get3A_19 = vector.load %arg4[%get3A_17, %get3A_18] : memref<1x2048xf32, #tpu.memory_space<vmem>>, vector<1x2048xf32>
    %add3A_20 = vector.broadcast %get3A_19 : vector<1x2048xf32> to vector<2x2048xf32>
    %add3A_21 = arith.addf %dot_general3A_16, %add3A_20 : vector<2x2048xf32>
    %swap3A_22 = arith.constant 0 : index
    %swap3A_23 = arith.constant 0 : index
    %swap3A_24 = vector.load %arg6[%swap3A_22, %swap3A_23] : memref<2x2048xf32, #tpu.memory_space<vmem>>, vector<2x2048xf32>
    tpu.vector_store %arg6[%swap3A_22, %swap3A_23], %add3A_21 {strides = array<i32>} : memref<2x2048xf32, #tpu.memory_space<vmem>>, vector<2x2048xf32>,
    return
  }
}

module attributes {stable_mosaic.version = 14 : i64} {
  func.func @_embed_body(%arg0: i32, %arg1: i32, %arg2: i32, %arg3: memref<2xi32, #tpu.memory_space<smem>>, %arg4: memref<1x2000x128xf32, #tpu.memory_space<vmem>>, %arg5: memref<128x128xf32, #tpu.memory_space<vmem>>, %arg6: memref<1x128xf32, #tpu.memory_space<vmem>>, %arg7: memref<1x128xf32, #tpu.memory_space<vmem>>, %arg8: memref<128x128xf32, #tpu.memory_space<vmem>>, %arg9: memref<1x128xf32, #tpu.memory_space<vmem>>, %arg10: memref<1x16x128xf32, #tpu.memory_space<vmem>>, %arg11: memref<1x2000x128xf32, #tpu.memory_space<vmem>>, %arg12: memref<1x1x2000x128xf32, #tpu.memory_space<vmem>>) attributes {dimension_semantics = [#tpu.dimension_semantics<arbitrary>, #tpu.dimension_semantics<arbitrary>, #tpu.dimension_semantics<arbitrary>], iteration_bounds = array<i64: 2, 5, 16>, scalar_prefetch = 0 : i64, scratch_operands = 0 : i64, tpu.core_type = #tpu.core_type<tc>, window_params = [{transform_indices = @transform_0, window_bounds = array<i64: 2>}, {transform_indices = @transform_1, window_bounds = array<i64: 1, 2000, 128>}, {pipeline_mode = #tpu.pipeline_mode<synchronous>, transform_indices = @transform_2, window_bounds = array<i64: 128, 128>}, {pipeline_mode = #tpu.pipeline_mode<synchronous>, transform_indices = @transform_3, window_bounds = array<i64: 1, 128>}, {pipeline_mode = #tpu.pipeline_mode<synchronous>, transform_indices = @transform_4, window_bounds = array<i64: 1, 128>}, {pipeline_mode = #tpu.pipeline_mode<synchronous>, transform_indices = @transform_5, window_bounds = array<i64: 128, 128>}, {pipeline_mode = #tpu.pipeline_mode<synchronous>, transform_indices = @transform_6, window_bounds = array<i64: 1, 128>}, {transform_indices = @transform_7, window_bounds = array<i64: 1, 16, 128>}, {transform_indices = @transform_8, window_bounds = array<i64: 1, 2000, 128>}, {transform_indices = @transform_9, window_bounds = array<i64: 1, 1, 2000, 128>}]} {
    %eq3A = arith.constant 0 : i32
    %eq3A_0 = arith.cmpi eq, %arg2, %eq3A : i32
    %convert_element_type3A = arith.extui %eq3A_0 : i1 to i32
    %cond3A = arith.constant 0 : i32
    %cond3A_1 = arith.cmpi ne, %convert_element_type3A, %cond3A : i32
    scf.if %cond3A_1 {
      %get3A_24 = arith.constant 0 : index
      %get3A_25 = arith.constant 0 : index
      %get3A_26 = arith.constant 0 : index
      %get3A_27 = vector.load %arg4[%get3A_24, %get3A_25, %get3A_26] : memref<1x2000x128xf32, #tpu.memory_space<vmem>>, vector<1x2000x128xf32>
      %get3A_28 = vector.shape_cast %get3A_27 : vector<1x2000x128xf32> to vector<2000x128xf32>
      %get3A_29 = arith.constant 0 : index
      %get3A_30 = arith.constant 0 : index
      %get3A_31 = vector.load %arg5[%get3A_29, %get3A_30] : memref<128x128xf32, #tpu.memory_space<vmem>>, vector<128x128xf32>
      %dot_general3A = arith.constant dense<0.000000e+00> : vector<2000x128xf32>
      %dot_general3A_32 = tpu.matmul %get3A_28, %get3A_31, %dot_general3A {dimension_numbers = #tpu.dot_dimension_numbers<[1], [0], [0], [1], [0, 0, 1, 1], [], []>, transpose_lhs_hint = false} : vector<2000x128xf32>, vector<128x128xf32>, vector<2000x128xf32> -> vector<2000x128xf32>
      %get3A_33 = arith.constant 0 : index
      %get3A_34 = arith.constant 0 : index
      %get3A_35 = vector.load %arg6[%get3A_33, %get3A_34] : memref<1x128xf32, #tpu.memory_space<vmem>>, vector<1x128xf32>
      %add3A = vector.broadcast %get3A_35 : vector<1x128xf32> to vector<2000x128xf32>
      %add3A_36 = arith.addf %dot_general3A_32, %add3A : vector<2000x128xf32>
      %iota3A_37 = tpu.iota {dimensions = array<i32: 0>} : vector<2000x1xi32>
      %mul3A_38 = arith.constant 2000 : i32
      %mul3A_39 = arith.muli %arg1, %mul3A_38 : i32
      %add3A_40 = vector.broadcast %mul3A_39 : i32 to vector<2000x1xi32>
      %add3A_41 = arith.addi %iota3A_37, %add3A_40 : vector<2000x1xi32>
      %get3A_42 = arith.index_cast %arg0 : i32 to index
      %get3A_43 = memref.load %arg3[%get3A_42] : memref<2xi32, #tpu.memory_space<smem>>
      %eq3A_44 = vector.broadcast %get3A_43 : i32 to vector<2000x1xi32>
      %eq3A_45 = arith.cmpi eq, %add3A_41, %eq3A_44 : vector<2000x1xi32>
      %jit3A_46 = arith.constant 1.000000e+00 : f32
      %jit3A_47 = arith.constant 0.000000e+00 : f32
      %broadcast_in_dim3A_48 = vector.broadcast %jit3A_46 : f32 to vector<2000x1xf32>
      %broadcast_in_dim3A_49 = vector.broadcast %jit3A_47 : f32 to vector<2000x1xf32>
      %select_n3A_50 = arith.select %eq3A_45, %broadcast_in_dim3A_48, %broadcast_in_dim3A_49 : vector<2000x1xi1>, vector<2000x1xf32>
      %get3A_51 = arith.constant 0 : index
      %get3A_52 = arith.constant 0 : index
      %get3A_53 = vector.load %arg7[%get3A_51, %get3A_52] : memref<1x128xf32, #tpu.memory_space<vmem>>, vector<1x128xf32>
      %mul3A_54 = vector.broadcast %select_n3A_50 : vector<2000x1xf32> to vector<2000x128xf32>
      %mul3A_55 = vector.broadcast %get3A_53 : vector<1x128xf32> to vector<2000x128xf32>
      %mul3A_56 = arith.mulf %mul3A_54, %mul3A_55 : vector<2000x128xf32>
      %add3A_57 = arith.addf %add3A_36, %mul3A_56 : vector<2000x128xf32>
      %max3A = arith.constant 0.000000e+00 : f32
      %max3A_58 = vector.broadcast %max3A : f32 to vector<2000x128xf32>
      %max3A_59 = arith.maximumf %add3A_57, %max3A_58 : vector<2000x128xf32>
      %get3A_60 = arith.constant 0 : index
      %get3A_61 = arith.constant 0 : index
      %get3A_62 = vector.load %arg8[%get3A_60, %get3A_61] : memref<128x128xf32, #tpu.memory_space<vmem>>, vector<128x128xf32>
      %dot_general3A_63 = arith.constant dense<0.000000e+00> : vector<2000x128xf32>
      %dot_general3A_64 = tpu.matmul %max3A_59, %get3A_62, %dot_general3A_63 {dimension_numbers = #tpu.dot_dimension_numbers<[1], [0], [0], [1], [0, 0, 1, 1], [], []>, transpose_lhs_hint = false} : vector<2000x128xf32>, vector<128x128xf32>, vector<2000x128xf32> -> vector<2000x128xf32>
      %get3A_65 = arith.constant 0 : index
      %get3A_66 = arith.constant 0 : index
      %get3A_67 = vector.load %arg9[%get3A_65, %get3A_66] : memref<1x128xf32, #tpu.memory_space<vmem>>, vector<1x128xf32>
      %add3A_68 = vector.broadcast %get3A_67 : vector<1x128xf32> to vector<2000x128xf32>
      %add3A_69 = arith.addf %dot_general3A_64, %add3A_68 : vector<2000x128xf32>
      %swap3A_70 = arith.constant 0 : index
      %swap3A_71 = arith.constant 0 : index
      %swap3A_72 = arith.constant 0 : index
      %swap3A_73 = vector.load %arg11[%swap3A_70, %swap3A_71, %swap3A_72] : memref<1x2000x128xf32, #tpu.memory_space<vmem>>, vector<1x2000x128xf32>
      %swap3A_74 = vector.shape_cast %swap3A_73 : vector<1x2000x128xf32> to vector<2000x128xf32>
      %swap3A_75 = vector.shape_cast %add3A_69 : vector<2000x128xf32> to vector<1x2000x128xf32>
      tpu.vector_store %arg11[%swap3A_70, %swap3A_71, %swap3A_72], %swap3A_75 {strides = array<i32>} : memref<1x2000x128xf32, #tpu.memory_space<vmem>>, vector<1x2000x128xf32>,
    } else {
    }
    %get3A = arith.constant 0 : index
    %get3A_2 = arith.constant 0 : index
    %get3A_3 = arith.constant 0 : index
    %get3A_4 = vector.load %arg10[%get3A, %get3A_2, %get3A_3] : memref<1x16x128xf32, #tpu.memory_space<vmem>>, vector<1x16x128xf32>
    %get3A_5 = vector.shape_cast %get3A_4 : vector<1x16x128xf32> to vector<16x128xf32>
    %iota3A = tpu.iota {dimensions = array<i32: 0>} : vector<16x1xi32>
    %eq3A_6 = vector.broadcast %arg2 : i32 to vector<16x1xi32>
    %eq3A_7 = arith.cmpi eq, %iota3A, %eq3A_6 : vector<16x1xi32>
    %jit3A = arith.constant 0.000000e+00 : f32
    %broadcast_in_dim3A = vector.shape_cast %eq3A_7 : vector<16x1xi1> to vector<16x1xi1>
    %broadcast_in_dim3A_8 = vector.broadcast %broadcast_in_dim3A : vector<16x1xi1> to vector<16x128xi1>
    %broadcast_in_dim3A_9 = vector.broadcast %jit3A : f32 to vector<16x128xf32>
    %select_n3A = arith.select %broadcast_in_dim3A_8, %get3A_5, %broadcast_in_dim3A_9 : vector<16x128xi1>, vector<16x128xf32>
    %reduce_sum3A = arith.constant dense<0.000000e+00> : vector<128xf32>
    %reduce_sum3A_10 = vector.multi_reduction <add>, %select_n3A, %reduce_sum3A [0] : vector<16x128xf32> to vector<128xf32>
    %broadcast_in_dim3A_11 = vector.shape_cast %reduce_sum3A_10 : vector<128xf32> to vector<1x128xf32>
    %get3A_12 = arith.constant 0 : index
    %get3A_13 = arith.constant 0 : index
    %get3A_14 = arith.constant 0 : index
    %get3A_15 = vector.load %arg11[%get3A_12, %get3A_13, %get3A_14] : memref<1x2000x128xf32, #tpu.memory_space<vmem>>, vector<1x2000x128xf32>
    %get3A_16 = vector.shape_cast %get3A_15 : vector<1x2000x128xf32> to vector<2000x128xf32>
    %mul3A = vector.broadcast %broadcast_in_dim3A_11 : vector<1x128xf32> to vector<2000x128xf32>
    %mul3A_17 = arith.mulf %mul3A, %get3A_16 : vector<2000x128xf32>
    %swap3A = arith.constant 0 : index
    %swap3A_18 = arith.constant 0 : index
    %swap3A_19 = arith.constant 0 : index
    %swap3A_20 = arith.constant 0 : index
    %swap3A_21 = vector.load %arg12[%swap3A, %swap3A_18, %swap3A_19, %swap3A_20] : memref<1x1x2000x128xf32, #tpu.memory_space<vmem>>, vector<1x1x2000x128xf32>
    %swap3A_22 = vector.shape_cast %swap3A_21 : vector<1x1x2000x128xf32> to vector<2000x128xf32>
    %swap3A_23 = vector.shape_cast %mul3A_17 : vector<2000x128xf32> to vector<1x1x2000x128xf32>
    tpu.vector_store %arg12[%swap3A, %swap3A_18, %swap3A_19, %swap3A_20], %swap3A_23 {strides = array<i32>} : memref<1x1x2000x128xf32, #tpu.memory_space<vmem>>, vector<1x1x2000x128xf32>,
    return
  }
  func.func @transform_0(%arg0: i32, %arg1: i32, %arg2: i32) -> i32 {
    %c0_i32 = arith.constant 0 : i32
    %c0_i32_0 = arith.constant 0 : i32
    return %c0_i32 : i32
  }
  func.func @transform_1(%arg0: i32, %arg1: i32, %arg2: i32) -> (i32, i32, i32) {
    %c0_i32 = arith.constant 0 : i32
    %c0_i32_0 = arith.constant 0 : i32
    return %arg0, %arg1, %c0_i32 : i32, i32, i32
  }
  func.func @transform_2(%arg0: i32, %arg1: i32, %arg2: i32) -> (i32, i32) {
    %c0_i32 = arith.constant 0 : i32
    %c0_i32_0 = arith.constant 0 : i32
    %c0_i32_1 = arith.constant 0 : i32
    return %c0_i32, %c0_i32_0 : i32, i32
  }
  func.func @transform_3(%arg0: i32, %arg1: i32, %arg2: i32) -> (i32, i32) {
    %c0_i32 = arith.constant 0 : i32
    %c0_i32_0 = arith.constant 0 : i32
    %c0_i32_1 = arith.constant 0 : i32
    return %c0_i32, %c0_i32_0 : i32, i32
  }
  func.func @transform_4(%arg0: i32, %arg1: i32, %arg2: i32) -> (i32, i32) {
    %c0_i32 = arith.constant 0 : i32
    %c0_i32_0 = arith.constant 0 : i32
    %c0_i32_1 = arith.constant 0 : i32
    return %c0_i32, %c0_i32_0 : i32, i32
  }
  func.func @transform_5(%arg0: i32, %arg1: i32, %arg2: i32) -> (i32, i32) {
    %c0_i32 = arith.constant 0 : i32
    %c0_i32_0 = arith.constant 0 : i32
    %c0_i32_1 = arith.constant 0 : i32
    return %c0_i32, %c0_i32_0 : i32, i32
  }
  func.func @transform_6(%arg0: i32, %arg1: i32, %arg2: i32) -> (i32, i32) {
    %c0_i32 = arith.constant 0 : i32
    %c0_i32_0 = arith.constant 0 : i32
    %c0_i32_1 = arith.constant 0 : i32
    return %c0_i32, %c0_i32_0 : i32, i32
  }
  func.func @transform_7(%arg0: i32, %arg1: i32, %arg2: i32) -> (i32, i32, i32) {
    %c0_i32 = arith.constant 0 : i32
    %c0_i32_0 = arith.constant 0 : i32
    %c0_i32_1 = arith.constant 0 : i32
    return %arg0, %c0_i32, %c0_i32_0 : i32, i32, i32
  }
  func.func @transform_8(%arg0: i32, %arg1: i32, %arg2: i32) -> (i32, i32, i32) {
    %c0_i32 = arith.constant 0 : i32
    %c0_i32_0 = arith.constant 0 : i32
    return %arg0, %arg1, %c0_i32 : i32, i32, i32
  }
  func.func @transform_9(%arg0: i32, %arg1: i32, %arg2: i32) -> (i32, i32, i32, i32) {
    %c0_i32 = arith.constant 0 : i32
    %c0_i32_0 = arith.constant 0 : i32
    return %arg0, %arg2, %arg1, %c0_i32 : i32, i32, i32, i32
  }
}

module attributes {stable_mosaic.version = 14 : i64} {
  func.func @_post_y_body(%arg0: i32, %arg1: i32, %arg2: i32, %arg3: memref<1x2000x128xf32, #tpu.memory_space<vmem>>, %arg4: memref<1x2000x128xf32, #tpu.memory_space<vmem>>, %arg5: memref<128x128xf32, #tpu.memory_space<vmem>>, %arg6: memref<1x128xf32, #tpu.memory_space<vmem>>, %arg7: memref<128x128xf32, #tpu.memory_space<vmem>>, %arg8: memref<1x128xf32, #tpu.memory_space<vmem>>, %arg9: memref<1x128xf32, #tpu.memory_space<vmem>>, %arg10: memref<1x128xf32, #tpu.memory_space<vmem>>, %arg11: memref<1x128xf32, #tpu.memory_space<vmem>>, %arg12: memref<1x16x128xf32, #tpu.memory_space<vmem>>, %arg13: memref<1x2000x128xf32, #tpu.memory_space<vmem>>, %arg14: memref<1x1x2000x128xf32, #tpu.memory_space<vmem>>) attributes {dimension_semantics = [#tpu.dimension_semantics<arbitrary>, #tpu.dimension_semantics<arbitrary>, #tpu.dimension_semantics<arbitrary>], iteration_bounds = array<i64: 2, 5, 16>, scalar_prefetch = 0 : i64, scratch_operands = 0 : i64, tpu.core_type = #tpu.core_type<tc>, window_params = [{transform_indices = @transform_0, window_bounds = array<i64: 1, 2000, 128>}, {transform_indices = @transform_1, window_bounds = array<i64: 1, 2000, 128>}, {pipeline_mode = #tpu.pipeline_mode<synchronous>, transform_indices = @transform_2, window_bounds = array<i64: 128, 128>}, {pipeline_mode = #tpu.pipeline_mode<synchronous>, transform_indices = @transform_3, window_bounds = array<i64: 1, 128>}, {pipeline_mode = #tpu.pipeline_mode<synchronous>, transform_indices = @transform_4, window_bounds = array<i64: 128, 128>}, {pipeline_mode = #tpu.pipeline_mode<synchronous>, transform_indices = @transform_5, window_bounds = array<i64: 1, 128>}, {pipeline_mode = #tpu.pipeline_mode<synchronous>, transform_indices = @transform_6, window_bounds = array<i64: 1, 128>}, {pipeline_mode = #tpu.pipeline_mode<synchronous>, transform_indices = @transform_7, window_bounds = array<i64: 1, 128>}, {pipeline_mode = #tpu.pipeline_mode<synchronous>, transform_indices = @transform_8, window_bounds = array<i64: 1, 128>}, {transform_indices = @transform_9, window_bounds = array<i64: 1, 16, 128>}, {transform_indices = @transform_10, window_bounds = array<i64: 1, 2000, 128>}, {transform_indices = @transform_11, window_bounds = array<i64: 1, 1, 2000, 128>}]} {
    %eq3A = arith.constant 0 : i32
    %eq3A_0 = arith.cmpi eq, %arg2, %eq3A : i32
    %convert_element_type3A = arith.extui %eq3A_0 : i1 to i32
    %cond3A = arith.constant 0 : i32
    %cond3A_1 = arith.cmpi ne, %convert_element_type3A, %cond3A : i32
    scf.if %cond3A_1 {
      %get3A_24 = arith.constant 0 : index
      %get3A_25 = arith.constant 0 : index
      %get3A_26 = arith.constant 0 : index
      %get3A_27 = vector.load %arg4[%get3A_24, %get3A_25, %get3A_26] : memref<1x2000x128xf32, #tpu.memory_space<vmem>>, vector<1x2000x128xf32>
      %get3A_28 = vector.shape_cast %get3A_27 : vector<1x2000x128xf32> to vector<2000x128xf32>
      %get3A_29 = arith.constant 0 : index
      %get3A_30 = arith.constant 0 : index
      %get3A_31 = arith.constant 0 : index
      %get3A_32 = vector.load %arg3[%get3A_29, %get3A_30, %get3A_31] : memref<1x2000x128xf32, #tpu.memory_space<vmem>>, vector<1x2000x128xf32>
      %get3A_33 = vector.shape_cast %get3A_32 : vector<1x2000x128xf32> to vector<2000x128xf32>
      %get3A_34 = arith.constant 0 : index
      %get3A_35 = arith.constant 0 : index
      %get3A_36 = vector.load %arg9[%get3A_34, %get3A_35] : memref<1x128xf32, #tpu.memory_space<vmem>>, vector<1x128xf32>
      %mul3A_37 = vector.broadcast %get3A_36 : vector<1x128xf32> to vector<2000x128xf32>
      %mul3A_38 = arith.mulf %mul3A_37, %get3A_28 : vector<2000x128xf32>
      %add3A = arith.addf %get3A_33, %mul3A_38 : vector<2000x128xf32>
      %get3A_39 = arith.constant 0 : index
      %get3A_40 = arith.constant 0 : index
      %get3A_41 = vector.load %arg5[%get3A_39, %get3A_40] : memref<128x128xf32, #tpu.memory_space<vmem>>, vector<128x128xf32>
      %dot_general3A = arith.constant dense<0.000000e+00> : vector<2000x128xf32>
      %dot_general3A_42 = tpu.matmul %add3A, %get3A_41, %dot_general3A {dimension_numbers = #tpu.dot_dimension_numbers<[1], [0], [0], [1], [0, 0, 1, 1], [], []>, transpose_lhs_hint = false} : vector<2000x128xf32>, vector<128x128xf32>, vector<2000x128xf32> -> vector<2000x128xf32>
      %get3A_43 = arith.constant 0 : index
      %get3A_44 = arith.constant 0 : index
      %get3A_45 = vector.load %arg6[%get3A_43, %get3A_44] : memref<1x128xf32, #tpu.memory_space<vmem>>, vector<1x128xf32>
      %add3A_46 = vector.broadcast %get3A_45 : vector<1x128xf32> to vector<2000x128xf32>
      %add3A_47 = arith.addf %dot_general3A_42, %add3A_46 : vector<2000x128xf32>
      %max3A = arith.constant 0.000000e+00 : f32
      %max3A_48 = vector.broadcast %max3A : f32 to vector<2000x128xf32>
      %max3A_49 = arith.maximumf %add3A_47, %max3A_48 : vector<2000x128xf32>
      %get3A_50 = arith.constant 0 : index
      %get3A_51 = arith.constant 0 : index
      %get3A_52 = vector.load %arg7[%get3A_50, %get3A_51] : memref<128x128xf32, #tpu.memory_space<vmem>>, vector<128x128xf32>
      %dot_general3A_53 = arith.constant dense<0.000000e+00> : vector<2000x128xf32>
      %dot_general3A_54 = tpu.matmul %max3A_49, %get3A_52, %dot_general3A_53 {dimension_numbers = #tpu.dot_dimension_numbers<[1], [0], [0], [1], [0, 0, 1, 1], [], []>, transpose_lhs_hint = false} : vector<2000x128xf32>, vector<128x128xf32>, vector<2000x128xf32> -> vector<2000x128xf32>
      %get3A_55 = arith.constant 0 : index
      %get3A_56 = arith.constant 0 : index
      %get3A_57 = vector.load %arg8[%get3A_55, %get3A_56] : memref<1x128xf32, #tpu.memory_space<vmem>>, vector<1x128xf32>
      %add3A_58 = vector.broadcast %get3A_57 : vector<1x128xf32> to vector<2000x128xf32>
      %add3A_59 = arith.addf %dot_general3A_54, %add3A_58 : vector<2000x128xf32>
      %reduce_sum3A_60 = arith.constant dense<0.000000e+00> : vector<2000xf32>
      %reduce_sum3A_61 = vector.multi_reduction <add>, %add3A_59, %reduce_sum3A_60 [1] : vector<2000x128xf32> to vector<2000xf32>
      %broadcast_in_dim3A_62 = vector.shape_cast %reduce_sum3A_61 : vector<2000xf32> to vector<2000x1xf32>
      %div3A = arith.constant 1.280000e+02 : f32
      %div3A_63 = vector.broadcast %div3A : f32 to vector<2000x1xf32>
      %div3A_64 = arith.divf %broadcast_in_dim3A_62, %div3A_63 : vector<2000x1xf32>
      %sub3A = vector.broadcast %div3A_64 : vector<2000x1xf32> to vector<2000x128xf32>
      %sub3A_65 = arith.subf %add3A_59, %sub3A : vector<2000x128xf32>
      %integer_pow3A = arith.mulf %sub3A_65, %sub3A_65 : vector<2000x128xf32>
      %reduce_sum3A_66 = arith.constant dense<0.000000e+00> : vector<2000xf32>
      %reduce_sum3A_67 = vector.multi_reduction <add>, %integer_pow3A, %reduce_sum3A_66 [1] : vector<2000x128xf32> to vector<2000xf32>
      %broadcast_in_dim3A_68 = vector.shape_cast %reduce_sum3A_67 : vector<2000xf32> to vector<2000x1xf32>
      %div3A_69 = arith.constant 1.280000e+02 : f32
      %div3A_70 = vector.broadcast %div3A_69 : f32 to vector<2000x1xf32>
      %div3A_71 = arith.divf %broadcast_in_dim3A_68, %div3A_70 : vector<2000x1xf32>
      %sub3A_72 = vector.broadcast %div3A_64 : vector<2000x1xf32> to vector<2000x128xf32>
      %sub3A_73 = arith.subf %add3A_59, %sub3A_72 : vector<2000x128xf32>
      %add3A_74 = arith.constant 9.99999974E-6 : f32
      %add3A_75 = vector.broadcast %add3A_74 : f32 to vector<2000x1xf32>
      %add3A_76 = arith.addf %div3A_71, %add3A_75 : vector<2000x1xf32>
      %sqrt3A = math.sqrt %add3A_76 : vector<2000x1xf32>
      %div3A_77 = vector.broadcast %sqrt3A : vector<2000x1xf32> to vector<2000x128xf32>
      %div3A_78 = arith.divf %sub3A_73, %div3A_77 : vector<2000x128xf32>
      %get3A_79 = arith.constant 0 : index
      %get3A_80 = arith.constant 0 : index
      %get3A_81 = vector.load %arg10[%get3A_79, %get3A_80] : memref<1x128xf32, #tpu.memory_space<vmem>>, vector<1x128xf32>
      %mul3A_82 = vector.broadcast %get3A_81 : vector<1x128xf32> to vector<2000x128xf32>
      %mul3A_83 = arith.mulf %div3A_78, %mul3A_82 : vector<2000x128xf32>
      %get3A_84 = arith.constant 0 : index
      %get3A_85 = arith.constant 0 : index
      %get3A_86 = vector.load %arg11[%get3A_84, %get3A_85] : memref<1x128xf32, #tpu.memory_space<vmem>>, vector<1x128xf32>
      %add3A_87 = vector.broadcast %get3A_86 : vector<1x128xf32> to vector<2000x128xf32>
      %add3A_88 = arith.addf %mul3A_83, %add3A_87 : vector<2000x128xf32>
      %add3A_89 = arith.addf %add3A_88, %get3A_28 : vector<2000x128xf32>
      %swap3A_90 = arith.constant 0 : index
      %swap3A_91 = arith.constant 0 : index
      %swap3A_92 = arith.constant 0 : index
      %swap3A_93 = vector.load %arg13[%swap3A_90, %swap3A_91, %swap3A_92] : memref<1x2000x128xf32, #tpu.memory_space<vmem>>, vector<1x2000x128xf32>
      %swap3A_94 = vector.shape_cast %swap3A_93 : vector<1x2000x128xf32> to vector<2000x128xf32>
      %swap3A_95 = vector.shape_cast %add3A_89 : vector<2000x128xf32> to vector<1x2000x128xf32>
      tpu.vector_store %arg13[%swap3A_90, %swap3A_91, %swap3A_92], %swap3A_95 {strides = array<i32>} : memref<1x2000x128xf32, #tpu.memory_space<vmem>>, vector<1x2000x128xf32>,
    } else {
    }
    %get3A = arith.constant 0 : index
    %get3A_2 = arith.constant 0 : index
    %get3A_3 = arith.constant 0 : index
    %get3A_4 = vector.load %arg12[%get3A, %get3A_2, %get3A_3] : memref<1x16x128xf32, #tpu.memory_space<vmem>>, vector<1x16x128xf32>
    %get3A_5 = vector.shape_cast %get3A_4 : vector<1x16x128xf32> to vector<16x128xf32>
    %iota3A = tpu.iota {dimensions = array<i32: 0>} : vector<16x1xi32>
    %eq3A_6 = vector.broadcast %arg2 : i32 to vector<16x1xi32>
    %eq3A_7 = arith.cmpi eq, %iota3A, %eq3A_6 : vector<16x1xi32>
    %jit3A = arith.constant 0.000000e+00 : f32
    %broadcast_in_dim3A = vector.shape_cast %eq3A_7 : vector<16x1xi1> to vector<16x1xi1>
    %broadcast_in_dim3A_8 = vector.broadcast %broadcast_in_dim3A : vector<16x1xi1> to vector<16x128xi1>
    %broadcast_in_dim3A_9 = vector.broadcast %jit3A : f32 to vector<16x128xf32>
    %select_n3A = arith.select %broadcast_in_dim3A_8, %get3A_5, %broadcast_in_dim3A_9 : vector<16x128xi1>, vector<16x128xf32>
    %reduce_sum3A = arith.constant dense<0.000000e+00> : vector<128xf32>
    %reduce_sum3A_10 = vector.multi_reduction <add>, %select_n3A, %reduce_sum3A [0] : vector<16x128xf32> to vector<128xf32>
    %broadcast_in_dim3A_11 = vector.shape_cast %reduce_sum3A_10 : vector<128xf32> to vector<1x128xf32>
    %get3A_12 = arith.constant 0 : index
    %get3A_13 = arith.constant 0 : index
    %get3A_14 = arith.constant 0 : index
    %get3A_15 = vector.load %arg13[%get3A_12, %get3A_13, %get3A_14] : memref<1x2000x128xf32, #tpu.memory_space<vmem>>, vector<1x2000x128xf32>
    %get3A_16 = vector.shape_cast %get3A_15 : vector<1x2000x128xf32> to vector<2000x128xf32>
    %mul3A = vector.broadcast %broadcast_in_dim3A_11 : vector<1x128xf32> to vector<2000x128xf32>
    %mul3A_17 = arith.mulf %mul3A, %get3A_16 : vector<2000x128xf32>
    %swap3A = arith.constant 0 : index
    %swap3A_18 = arith.constant 0 : index
    %swap3A_19 = arith.constant 0 : index
    %swap3A_20 = arith.constant 0 : index
    %swap3A_21 = vector.load %arg14[%swap3A, %swap3A_18, %swap3A_19, %swap3A_20] : memref<1x1x2000x128xf32, #tpu.memory_space<vmem>>, vector<1x1x2000x128xf32>
    %swap3A_22 = vector.shape_cast %swap3A_21 : vector<1x1x2000x128xf32> to vector<2000x128xf32>
    %swap3A_23 = vector.shape_cast %mul3A_17 : vector<2000x128xf32> to vector<1x1x2000x128xf32>
    tpu.vector_store %arg14[%swap3A, %swap3A_18, %swap3A_19, %swap3A_20], %swap3A_23 {strides = array<i32>} : memref<1x1x2000x128xf32, #tpu.memory_space<vmem>>, vector<1x1x2000x128xf32>,
    return
  }
  func.func @transform_0(%arg0: i32, %arg1: i32, %arg2: i32) -> (i32, i32, i32) {
    %c0_i32 = arith.constant 0 : i32
    %c0_i32_0 = arith.constant 0 : i32
    return %arg0, %arg1, %c0_i32 : i32, i32, i32
  }
  func.func @transform_1(%arg0: i32, %arg1: i32, %arg2: i32) -> (i32, i32, i32) {
    %c0_i32 = arith.constant 0 : i32
    %c0_i32_0 = arith.constant 0 : i32
    return %arg0, %arg1, %c0_i32 : i32, i32, i32
  }
  func.func @transform_2(%arg0: i32, %arg1: i32, %arg2: i32) -> (i32, i32) {
    %c0_i32 = arith.constant 0 : i32
    %c0_i32_0 = arith.constant 0 : i32
    %c0_i32_1 = arith.constant 0 : i32
    return %c0_i32, %c0_i32_0 : i32, i32
  }
  func.func @transform_3(%arg0: i32, %arg1: i32, %arg2: i32) -> (i32, i32) {
    %c0_i32 = arith.constant 0 : i32
    %c0_i32_0 = arith.constant 0 : i32
    %c0_i32_1 = arith.constant 0 : i32
    return %c0_i32, %c0_i32_0 : i32, i32
  }
  func.func @transform_4(%arg0: i32, %arg1: i32, %arg2: i32) -> (i32, i32) {
    %c0_i32 = arith.constant 0 : i32
    %c0_i32_0 = arith.constant 0 : i32
    %c0_i32_1 = arith.constant 0 : i32
    return %c0_i32, %c0_i32_0 : i32, i32
  }
  func.func @transform_5(%arg0: i32, %arg1: i32, %arg2: i32) -> (i32, i32) {
    %c0_i32 = arith.constant 0 : i32
    %c0_i32_0 = arith.constant 0 : i32
    %c0_i32_1 = arith.constant 0 : i32
    return %c0_i32, %c0_i32_0 : i32, i32
  }
  func.func @transform_6(%arg0: i32, %arg1: i32, %arg2: i32) -> (i32, i32) {
    %c0_i32 = arith.constant 0 : i32
    %c0_i32_0 = arith.constant 0 : i32
    %c0_i32_1 = arith.constant 0 : i32
    return %c0_i32, %c0_i32_0 : i32, i32
  }
  func.func @transform_7(%arg0: i32, %arg1: i32, %arg2: i32) -> (i32, i32) {
    %c0_i32 = arith.constant 0 : i32
    %c0_i32_0 = arith.constant 0 : i32
    %c0_i32_1 = arith.constant 0 : i32
    return %c0_i32, %c0_i32_0 : i32, i32
  }
  func.func @transform_8(%arg0: i32, %arg1: i32, %arg2: i32) -> (i32, i32) {
    %c0_i32 = arith.constant 0 : i32
    %c0_i32_0 = arith.constant 0 : i32
    %c0_i32_1 = arith.constant 0 : i32
    return %c0_i32, %c0_i32_0 : i32, i32
  }
  func.func @transform_9(%arg0: i32, %arg1: i32, %arg2: i32) -> (i32, i32, i32) {
    %c0_i32 = arith.constant 0 : i32
    %c0_i32_0 = arith.constant 0 : i32
    %c0_i32_1 = arith.constant 0 : i32
    return %arg0, %c0_i32, %c0_i32_0 : i32, i32, i32
  }
  func.func @transform_10(%arg0: i32, %arg1: i32, %arg2: i32) -> (i32, i32, i32) {
    %c0_i32 = arith.constant 0 : i32
    %c0_i32_0 = arith.constant 0 : i32
    return %arg0, %arg1, %c0_i32 : i32, i32, i32
  }
  func.func @transform_11(%arg0: i32, %arg1: i32, %arg2: i32) -> (i32, i32, i32, i32) {
    %c0_i32 = arith.constant 0 : i32
    %c0_i32_0 = arith.constant 0 : i32
    return %arg0, %arg2, %arg1, %c0_i32 : i32, i32, i32, i32
  }
}

module attributes {stable_mosaic.version = 14 : i64} {
  func.func @_post_body(%arg0: i32, %arg1: i32, %arg2: memref<1x2000x128xf32, #tpu.memory_space<vmem>>, %arg3: memref<1x2000x128xf32, #tpu.memory_space<vmem>>, %arg4: memref<128x128xf32, #tpu.memory_space<vmem>>, %arg5: memref<1x128xf32, #tpu.memory_space<vmem>>, %arg6: memref<128x128xf32, #tpu.memory_space<vmem>>, %arg7: memref<1x128xf32, #tpu.memory_space<vmem>>, %arg8: memref<1x128xf32, #tpu.memory_space<vmem>>, %arg9: memref<1x128xf32, #tpu.memory_space<vmem>>, %arg10: memref<1x128xf32, #tpu.memory_space<vmem>>, %arg11: memref<1x2000x128xf32, #tpu.memory_space<vmem>>) attributes {dimension_semantics = [#tpu.dimension_semantics<arbitrary>, #tpu.dimension_semantics<arbitrary>], iteration_bounds = array<i64: 2, 5>, scalar_prefetch = 0 : i64, scratch_operands = 0 : i64, tpu.core_type = #tpu.core_type<tc>, window_params = [{transform_indices = @transform_0, window_bounds = array<i64: 1, 2000, 128>}, {transform_indices = @transform_1, window_bounds = array<i64: 1, 2000, 128>}, {pipeline_mode = #tpu.pipeline_mode<synchronous>, transform_indices = @transform_2, window_bounds = array<i64: 128, 128>}, {pipeline_mode = #tpu.pipeline_mode<synchronous>, transform_indices = @transform_3, window_bounds = array<i64: 1, 128>}, {pipeline_mode = #tpu.pipeline_mode<synchronous>, transform_indices = @transform_4, window_bounds = array<i64: 128, 128>}, {pipeline_mode = #tpu.pipeline_mode<synchronous>, transform_indices = @transform_5, window_bounds = array<i64: 1, 128>}, {pipeline_mode = #tpu.pipeline_mode<synchronous>, transform_indices = @transform_6, window_bounds = array<i64: 1, 128>}, {pipeline_mode = #tpu.pipeline_mode<synchronous>, transform_indices = @transform_7, window_bounds = array<i64: 1, 128>}, {pipeline_mode = #tpu.pipeline_mode<synchronous>, transform_indices = @transform_8, window_bounds = array<i64: 1, 128>}, {transform_indices = @transform_9, window_bounds = array<i64: 1, 2000, 128>}]} {
    %get3A = arith.constant 0 : index
    %get3A_0 = arith.constant 0 : index
    %get3A_1 = arith.constant 0 : index
    %get3A_2 = vector.load %arg3[%get3A, %get3A_0, %get3A_1] : memref<1x2000x128xf32, #tpu.memory_space<vmem>>, vector<1x2000x128xf32>
    %get3A_3 = vector.shape_cast %get3A_2 : vector<1x2000x128xf32> to vector<2000x128xf32>
    %get3A_4 = arith.constant 0 : index
    %get3A_5 = arith.constant 0 : index
    %get3A_6 = arith.constant 0 : index
    %get3A_7 = vector.load %arg2[%get3A_4, %get3A_5, %get3A_6] : memref<1x2000x128xf32, #tpu.memory_space<vmem>>, vector<1x2000x128xf32>
    %get3A_8 = vector.shape_cast %get3A_7 : vector<1x2000x128xf32> to vector<2000x128xf32>
    %get3A_9 = arith.constant 0 : index
    %get3A_10 = arith.constant 0 : index
    %get3A_11 = vector.load %arg8[%get3A_9, %get3A_10] : memref<1x128xf32, #tpu.memory_space<vmem>>, vector<1x128xf32>
    %mul3A = vector.broadcast %get3A_11 : vector<1x128xf32> to vector<2000x128xf32>
    %mul3A_12 = arith.mulf %mul3A, %get3A_3 : vector<2000x128xf32>
    %add3A = arith.addf %get3A_8, %mul3A_12 : vector<2000x128xf32>
    %get3A_13 = arith.constant 0 : index
    %get3A_14 = arith.constant 0 : index
    %get3A_15 = vector.load %arg4[%get3A_13, %get3A_14] : memref<128x128xf32, #tpu.memory_space<vmem>>, vector<128x128xf32>
    %dot_general3A = arith.constant dense<0.000000e+00> : vector<2000x128xf32>
    %dot_general3A_16 = tpu.matmul %add3A, %get3A_15, %dot_general3A {dimension_numbers = #tpu.dot_dimension_numbers<[1], [0], [0], [1], [0, 0, 1, 1], [], []>, transpose_lhs_hint = false} : vector<2000x128xf32>, vector<128x128xf32>, vector<2000x128xf32> -> vector<2000x128xf32>
    %get3A_17 = arith.constant 0 : index
    %get3A_18 = arith.constant 0 : index
    %get3A_19 = vector.load %arg5[%get3A_17, %get3A_18] : memref<1x128xf32, #tpu.memory_space<vmem>>, vector<1x128xf32>
    %add3A_20 = vector.broadcast %get3A_19 : vector<1x128xf32> to vector<2000x128xf32>
    %add3A_21 = arith.addf %dot_general3A_16, %add3A_20 : vector<2000x128xf32>
    %max3A = arith.constant 0.000000e+00 : f32
    %max3A_22 = vector.broadcast %max3A : f32 to vector<2000x128xf32>
    %max3A_23 = arith.maximumf %add3A_21, %max3A_22 : vector<2000x128xf32>
    %get3A_24 = arith.constant 0 : index
    %get3A_25 = arith.constant 0 : index
    %get3A_26 = vector.load %arg6[%get3A_24, %get3A_25] : memref<128x128xf32, #tpu.memory_space<vmem>>, vector<128x128xf32>
    %dot_general3A_27 = arith.constant dense<0.000000e+00> : vector<2000x128xf32>
    %dot_general3A_28 = tpu.matmul %max3A_23, %get3A_26, %dot_general3A_27 {dimension_numbers = #tpu.dot_dimension_numbers<[1], [0], [0], [1], [0, 0, 1, 1], [], []>, transpose_lhs_hint = false} : vector<2000x128xf32>, vector<128x128xf32>, vector<2000x128xf32> -> vector<2000x128xf32>
    %get3A_29 = arith.constant 0 : index
    %get3A_30 = arith.constant 0 : index
    %get3A_31 = vector.load %arg7[%get3A_29, %get3A_30] : memref<1x128xf32, #tpu.memory_space<vmem>>, vector<1x128xf32>
    %add3A_32 = vector.broadcast %get3A_31 : vector<1x128xf32> to vector<2000x128xf32>
    %add3A_33 = arith.addf %dot_general3A_28, %add3A_32 : vector<2000x128xf32>
    %reduce_sum3A = arith.constant dense<0.000000e+00> : vector<2000xf32>
    %reduce_sum3A_34 = vector.multi_reduction <add>, %add3A_33, %reduce_sum3A [1] : vector<2000x128xf32> to vector<2000xf32>
    %broadcast_in_dim3A = vector.shape_cast %reduce_sum3A_34 : vector<2000xf32> to vector<2000x1xf32>
    %div3A = arith.constant 1.280000e+02 : f32
    %div3A_35 = vector.broadcast %div3A : f32 to vector<2000x1xf32>
    %div3A_36 = arith.divf %broadcast_in_dim3A, %div3A_35 : vector<2000x1xf32>
    %sub3A = vector.broadcast %div3A_36 : vector<2000x1xf32> to vector<2000x128xf32>
    %sub3A_37 = arith.subf %add3A_33, %sub3A : vector<2000x128xf32>
    %integer_pow3A = arith.mulf %sub3A_37, %sub3A_37 : vector<2000x128xf32>
    %reduce_sum3A_38 = arith.constant dense<0.000000e+00> : vector<2000xf32>
    %reduce_sum3A_39 = vector.multi_reduction <add>, %integer_pow3A, %reduce_sum3A_38 [1] : vector<2000x128xf32> to vector<2000xf32>
    %broadcast_in_dim3A_40 = vector.shape_cast %reduce_sum3A_39 : vector<2000xf32> to vector<2000x1xf32>
    %div3A_41 = arith.constant 1.280000e+02 : f32
    %div3A_42 = vector.broadcast %div3A_41 : f32 to vector<2000x1xf32>
    %div3A_43 = arith.divf %broadcast_in_dim3A_40, %div3A_42 : vector<2000x1xf32>
    %sub3A_44 = vector.broadcast %div3A_36 : vector<2000x1xf32> to vector<2000x128xf32>
    %sub3A_45 = arith.subf %add3A_33, %sub3A_44 : vector<2000x128xf32>
    %add3A_46 = arith.constant 9.99999974E-6 : f32
    %add3A_47 = vector.broadcast %add3A_46 : f32 to vector<2000x1xf32>
    %add3A_48 = arith.addf %div3A_43, %add3A_47 : vector<2000x1xf32>
    %sqrt3A = math.sqrt %add3A_48 : vector<2000x1xf32>
    %div3A_49 = vector.broadcast %sqrt3A : vector<2000x1xf32> to vector<2000x128xf32>
    %div3A_50 = arith.divf %sub3A_45, %div3A_49 : vector<2000x128xf32>
    %get3A_51 = arith.constant 0 : index
    %get3A_52 = arith.constant 0 : index
    %get3A_53 = vector.load %arg9[%get3A_51, %get3A_52] : memref<1x128xf32, #tpu.memory_space<vmem>>, vector<1x128xf32>
    %mul3A_54 = vector.broadcast %get3A_53 : vector<1x128xf32> to vector<2000x128xf32>
    %mul3A_55 = arith.mulf %div3A_50, %mul3A_54 : vector<2000x128xf32>
    %get3A_56 = arith.constant 0 : index
    %get3A_57 = arith.constant 0 : index
    %get3A_58 = vector.load %arg10[%get3A_56, %get3A_57] : memref<1x128xf32, #tpu.memory_space<vmem>>, vector<1x128xf32>
    %add3A_59 = vector.broadcast %get3A_58 : vector<1x128xf32> to vector<2000x128xf32>
    %add3A_60 = arith.addf %mul3A_55, %add3A_59 : vector<2000x128xf32>
    %add3A_61 = arith.addf %add3A_60, %get3A_3 : vector<2000x128xf32>
    %swap3A = arith.constant 0 : index
    %swap3A_62 = arith.constant 0 : index
    %swap3A_63 = arith.constant 0 : index
    %swap3A_64 = vector.load %arg11[%swap3A, %swap3A_62, %swap3A_63] : memref<1x2000x128xf32, #tpu.memory_space<vmem>>, vector<1x2000x128xf32>
    %swap3A_65 = vector.shape_cast %swap3A_64 : vector<1x2000x128xf32> to vector<2000x128xf32>
    %swap3A_66 = vector.shape_cast %add3A_61 : vector<2000x128xf32> to vector<1x2000x128xf32>
    tpu.vector_store %arg11[%swap3A, %swap3A_62, %swap3A_63], %swap3A_66 {strides = array<i32>} : memref<1x2000x128xf32, #tpu.memory_space<vmem>>, vector<1x2000x128xf32>,
    return
  }
  func.func @transform_0(%arg0: i32, %arg1: i32) -> (i32, i32, i32) {
    %c0_i32 = arith.constant 0 : i32
    %c0_i32_0 = arith.constant 0 : i32
    return %arg0, %arg1, %c0_i32 : i32, i32, i32
  }
  func.func @transform_1(%arg0: i32, %arg1: i32) -> (i32, i32, i32) {
    %c0_i32 = arith.constant 0 : i32
    %c0_i32_0 = arith.constant 0 : i32
    return %arg0, %arg1, %c0_i32 : i32, i32, i32
  }
  func.func @transform_2(%arg0: i32, %arg1: i32) -> (i32, i32) {
    %c0_i32 = arith.constant 0 : i32
    %c0_i32_0 = arith.constant 0 : i32
    %c0_i32_1 = arith.constant 0 : i32
    return %c0_i32, %c0_i32_0 : i32, i32
  }
  func.func @transform_3(%arg0: i32, %arg1: i32) -> (i32, i32) {
    %c0_i32 = arith.constant 0 : i32
    %c0_i32_0 = arith.constant 0 : i32
    %c0_i32_1 = arith.constant 0 : i32
    return %c0_i32, %c0_i32_0 : i32, i32
  }
  func.func @transform_4(%arg0: i32, %arg1: i32) -> (i32, i32) {
    %c0_i32 = arith.constant 0 : i32
    %c0_i32_0 = arith.constant 0 : i32
    %c0_i32_1 = arith.constant 0 : i32
    return %c0_i32, %c0_i32_0 : i32, i32
  }
  func.func @transform_5(%arg0: i32, %arg1: i32) -> (i32, i32) {
    %c0_i32 = arith.constant 0 : i32
    %c0_i32_0 = arith.constant 0 : i32
    %c0_i32_1 = arith.constant 0 : i32
    return %c0_i32, %c0_i32_0 : i32, i32
  }
  func.func @transform_6(%arg0: i32, %arg1: i32) -> (i32, i32) {
    %c0_i32 = arith.constant 0 : i32
    %c0_i32_0 = arith.constant 0 : i32
    %c0_i32_1 = arith.constant 0 : i32
    return %c0_i32, %c0_i32_0 : i32, i32
  }
  func.func @transform_7(%arg0: i32, %arg1: i32) -> (i32, i32) {
    %c0_i32 = arith.constant 0 : i32
    %c0_i32_0 = arith.constant 0 : i32
    %c0_i32_1 = arith.constant 0 : i32
    return %c0_i32, %c0_i32_0 : i32, i32
  }
  func.func @transform_8(%arg0: i32, %arg1: i32) -> (i32, i32) {
    %c0_i32 = arith.constant 0 : i32
    %c0_i32_0 = arith.constant 0 : i32
    %c0_i32_1 = arith.constant 0 : i32
    return %c0_i32, %c0_i32_0 : i32, i32
  }
  func.func @transform_9(%arg0: i32, %arg1: i32) -> (i32, i32, i32) {
    %c0_i32 = arith.constant 0 : i32
    %c0_i32_0 = arith.constant 0 : i32
    return %arg0, %arg1, %c0_i32 : i32, i32, i32
  }
}

</mosaic_0001>

<sc_bundles>
// kernel: kernel.11.cloned.1.call-start
scs
__scs_entry_jumppad:
0x0: {  	(pc) =	sbr.rel $0x88, $3  }
0x1: {  	(tag) =	ssettag $0x0;
	lr =	simm.s32 $0x1  }
0x2: {  	[smem:$0x3F85] =	sst lr;
	_ =	strace $0xD0000000  }
0x3: {  	_ = 	snop  }
0x4: {  	_ = 	snop  }
0x5: {  	_ = 	snop  }
0x6: {  	_ = 	snop  }
0x7: {  	_ = 	snop  }
__scs_overlays_trampoline_lowered:
0x8: {  	[smem:$0x3F94] =	sst s0  }
0x9: {  	[smem:$0x3F95] =	sst s1  }
0xa: {  	[smem:$0x3F96] =	sst s2  }
0xb: {  	[smem:$0x3F97] =	sst s3  }
0xc: {  	[smem:$0x3F98] =	sst s4  }
0xd: {  	[smem:$0x3F99] =	sst s5  }
0xe: {  	[smem:$0x3F9A] =	sst s6  }
0xf: {  	[smem:$0x3F9B] =	sst s7  }
0x10: {  	[smem:$0x3F9C] =	sst s8  }
0x11: {  	[smem:$0x3F9D] =	sst s9;
	s0 =	simm.s32 @!p0 $0x0  }
0x12: {  	s1 =	sld [smem:$0x3F83];
	s0 =	simm.s32 @p0 $0x1  }
0x13: {  	[smem:$0x3F9E] =	sst s0;
	s0 =	simm.s32 @!p1 $0x0  }
0x14: {  	s2 =	sld [smem:$0x3F82];
	s0 =	simm.s32 @p1 $0x1  }
0x15: {  	[smem:$0x3F9F] =	sst s0;
	s0 =	simm.s32 @!p2 $0x0  }
0x16: {  	s3 =	sld [smem:$0x3FDB];
	s0 =	simm.s32 @p2 $0x1  }
0x17: {  	s4 =	simm.s32 $0x1BF5;
	[smem:$0x3FA1] =	sst s0  }
0x18: {  	s0 =	sld [smem:$0x3F84];
	_ =	swait.ge [sflag:s4], $0x0  }
0x19: {  	s7 =	sld [smem:$0x3F85]  }
0x1a: {  	s8 =	sadd.s32 $0xFFFFE003, lr  }
0x1b: {  	s9 =	sadd.s32 $0xFFFFFEF7, lr;
	s5 =	simm.s32 $0xFFFFFFFF;
	p2 =	slt.u32 s8, $0xFFFFF086  }
0x1c: {  	p1 =	slt.u32 s9, $0xF7A;
	s5 =	simm.s32 @!p2 $0x0  }
0x1d: {  	s5 =	simm.s32 @p1 $0x1;
	p0 =	seq.s32 s7, s2  }
0x1e: {  	s7 =	smul.u32 @!p0 $0xF7A, s2;
	p2 =	seq.s32 @!p0 s5, $0x0  }
0x1f: {  	s9 =	smul.u32 $0xF7A, s1;
	s8 =	simm.s32 @!p0 $0x1BF5;
	p2 =	por !p2, p0  }
0x20: {  	[sflag:s8] =	ssyncset.s32 @!p0 $0xFFFFF086;
	s6 =	sadd.s32 @!p0 s3, s7;
	s7 =	simm.s32 @!p0 $0x108  }
0x21: {  	s3 =	sadd.s32 s3, s9;
	s6 =	sadd.s32 @!p0 $0x88, s6;
	s7 =	simm.s32 @p2 $0x1082  }
0x22: {  	[simem:s7], [sflag:s8] =	dma.local @!p0 [hbm:s6], $0xF7A  }
0x23: {  	s9 =	sor.u32 $0xD0000000, s2;
	s6 =	simm.s32 $0x108;
	_ =	swait.ge @!p0 [sflag:s8], $0x0  }
0x24: {  	s3 =	sadd.s32 $0x88, s3;
	s6 =	simm.s32 @!p1 $0x1082;
	[sflag:s4] =	ssyncset.s32 $0xFFFFF086  }
0x25: {  	[simem:s6], [sflag:s4] =	dma.local [hbm:s3], $0xF7A  }
0x26: {  	[smem:$0x3F85] =	sst s1;
	(tag) =	ssettag s2;
	_ =	strace s9  }
0x27: {  	s1 =	sld [smem:$0x3F95]  }
0x28: {  	s2 =	sld [smem:$0x3F96]  }
0x29: {  	s4 =	sld [smem:$0x3F98]  }
0x2a: {  	p0 =	seq.s32 s5, $0x0;
	s5 =	sld [smem:$0x3F99]  }
0x2b: {  	s6 =	sld [smem:$0x3F9A]  }
0x2c: {  	s7 =	sld [smem:$0x3F9B]  }
0x2d: {  	s3 =	simm.s32 $0x108;
	s8 =	sld [smem:$0x3F9C]  }
0x2e: {  	s3 =	simm.s32 @!p0 $0x1082;
	s9 =	sld [smem:$0x3F9D]  }
0x2f: {  	lr =	sadd.s32 s0, s3;
	s0 =	sld [smem:$0x3F94]  }
0x30: {  	s3 =	sld [smem:$0x3F97]  }
0x31: {  	[smem:$0x3FA0] =	sst s10  }
0x32: {  	s10 =	sld [smem:$0x3F9E];
	_ =	sdelay $0x3  }
0x33: {  	p0 =	seq.s32 s10, $0x1;
	s10 =	sld [smem:$0x3FA0];
	_ =	sdelay $0x3  }
0x34: {  	[smem:$0x3FA0] =	sst s10  }
0x35: {  	s10 =	sld [smem:$0x3F9F];
	_ =	sdelay $0x3  }
0x36: {  	p1 =	seq.s32 s10, $0x1;
	s10 =	sld [smem:$0x3FA0];
	_ =	sdelay $0x3  }
0x37: {  	[smem:$0x3FA0] =	sst s10  }
0x38: {  	s10 =	sld [smem:$0x3FA1]  }
0x39: {  	_ = 	snop;
	(pc) =	sbr.ind lr, $3  }
0x3a: {  	_ = 	snop  }
0x3b: {  	_ = 	snop  }
0x3c: {  	p2 =	seq.s32 s10, $0x1;
	s10 =	sld [smem:$0x3FA0]  }
0x3d: {  	_ =	shalt  }
0x3e: {  	_ =	shalt  }
0x3f: {  	_ =	shalt  }
0x40: {  	_ =	shalt  }
0x41: {  	_ =	shalt  }
0x42: {  	_ =	shalt  }
0x43: {  	_ =	shalt  }
0x44: {  	_ =	shalt  }
0x45: {  	_ =	shalt  }
0x46: {  	_ =	shalt  }
0x47: {  	_ =	shalt  }
0x48: {  	_ =	shalt  }
0x49: {  	_ =	shalt  }
0x4a: {  	_ =	shalt  }
0x4b: {  	_ =	shalt  }
0x4c: {  	_ =	shalt  }
0x4d: {  	_ =	shalt  }
0x4e: {  	_ =	shalt  }
0x4f: {  	_ =	shalt  }
0x50: {  	_ =	shalt  }
0x51: {  	_ =	shalt  }
0x52: {  	_ =	shalt  }
0x53: {  	_ =	shalt  }
0x54: {  	_ =	shalt  }
0x55: {  	_ =	shalt  }
0x56: {  	_ =	shalt  }
0x57: {  	_ =	shalt  }
0x58: {  	_ =	shalt  }
0x59: {  	_ =	shalt  }
0x5a: {  	_ =	shalt  }
0x5b: {  	_ =	shalt  }
0x5c: {  	_ =	shalt  }
0x5d: {  	_ =	shalt  }
0x5e: {  	_ =	shalt  }
0x5f: {  	_ =	shalt  }
0x60: {  	_ =	shalt  }
0x61: {  	_ =	shalt  }
0x62: {  	_ =	shalt  }
0x63: {  	_ =	shalt  }
0x64: {  	_ =	shalt  }
0x65: {  	_ =	shalt  }
0x66: {  	_ =	shalt  }
0x67: {  	_ =	shalt  }
0x68: {  	_ =	shalt  }
0x69: {  	_ =	shalt  }
0x6a: {  	_ =	shalt  }
0x6b: {  	_ =	shalt  }
0x6c: {  	_ =	shalt  }
0x6d: {  	_ =	shalt  }
0x6e: {  	_ =	shalt  }
0x6f: {  	_ =	shalt  }
0x70: {  	_ =	shalt  }
0x71: {  	_ =	shalt  }
0x72: {  	_ =	shalt  }
0x73: {  	_ =	shalt  }
0x74: {  	_ =	shalt  }
0x75: {  	_ =	shalt  }
0x76: {  	_ =	shalt  }
0x77: {  	_ =	shalt  }
0x78: {  	_ =	shalt  }
0x79: {  	_ =	shalt  }
0x7a: {  	_ =	shalt  }
0x7b: {  	_ =	shalt  }
0x7c: {  	_ =	shalt  }
0x7d: {  	_ =	shalt  }
0x7e: {  	_ =	shalt  }
0x7f: {  	_ =	shalt  }
0x80: {  	_ =	shalt  }
0x81: {  	_ =	shalt  }
0x82: {  	_ =	shalt  }
0x83: {  	_ =	shalt  }
0x84: {  	_ =	shalt  }
0x85: {  	_ =	shalt  }
0x86: {  	_ =	shalt  }
0x87: {  	_ =	shalt  }
.Lfunc_end0:
.L_simem_size_0:
called_computation.1_lowered:
.L_overlay_start_0:
0x88: {  	s2 =	sld [smem:$0x3FD9]  }
0x89: {  	s3 =	sld [smem:$0x3FFE];
	_ =	sdelay $0x1  }
0x8a: {  	s1 =	srdreg.scid  }
0x8b: {  	s0 =	sand.u32 $0x1, s1  }
0x8c: {  	s16 =	sshll.u32 s0, $0xA;
	s2 =	sadd.s32 s3, s2  }
0x8d: {  	s2 =	sadd.s32 s2, s16  }
0x8e: {  	[smem:$0x3FAC] =	sst s2  }
0x8f: {  	_ = 	snop  }
0x90: {  	(tm) =	ssettm $0x1  }
0x91: {  	s17 =	sld [smem:$0x3FFB];
	_ =	sdelay $0x3  }
0x92: {  	_ =	strace s17  }
0x93: {  	s2 =	sld [smem:$0x3FFC];
	_ =	sdelay $0x3  }
0x94: {  	_ =	strace s2  }
0x95: {  	s2 =	sld [smem:$0x3FFD];
	_ =	sdelay $0x3  }
0x96: {  	_ =	strace s2  }
0x97: {  	_ =	strace $0x8FFFFFFF  }
0x98: {  	s18 =	sld [smem:$0x3FDB];
	_ =	sdelay $0x1  }
0x99: {  	s19 =	simm.s32 $_scs_section_size  }
0x9a: {  	s4 =	simm.s32 $_size__tile_overlayer_lowered;
	s5 =	simm.s32 $_tile_overlayer_lowered  }
0x9b: {  	s22 =	simm.s32 $0x1BFF;
	s21 =	sshll.u32 s5, $0x1;
	s2 =	sadd.s32 s19, s18  }
0x9c: {  	s6 =	simm.s32 $0x0;
	s20 =	sshll.u32 s4, $0x1;
	s4 =	sadd.s32 s21, s2  }
0x9d: {  	[timem:s6], [sflag:s22] =	dma.local [hbm:s4], s20  }
0x9e: {  	_ =	swait.ge [sflag:s22], s20  }
0x9f: {  	s3 =	ssub.s32 $0x0, s20;
	[sflag:s22] =	ssyncset.done $0x0  }
0xa0: {  	[sflag:s22] =	ssyncadd.s32 s3;
	_ =	sdelay $0x1  }
0xa1: {  	s23 =	simm.s32 $0x1B8B  }
0xa2: {  	_ =	swait.ge [sflag:s23], $0x1  }
0xa3: {  	[sflag:s23] =	ssyncset.done $0x0  }
0xa4: {  	s25 =	simm.s32 $0x1B8E;
	s24 =	sld [smem:$0x3FFE];
	[sflag:s23] =	ssyncadd.s32 $0xFFFFFFFF  }
0xa5: {  	s26 =	simm.s32 $execute0_lowered;
	[smem:$0x3FD2] =	sst s25  }
0xa6: {  	s4 =	sshll.u32 s26, $0x1;
	_ =	strace $0x80000049;
	[dreg:$0x1] =	wrdreg $0xFFFFFFFF  }
0xa7: {  	s28 =	simm.s32 $_size_execute0_lowered;
	s2 =	sadd.s32 s2, s4;
	[dreg:$0x0] =	wrdreg $0x0  }
0xa8: {  	s4 =	sshll.u32 s28, $0x1;
	[dreg:$0x2] =	wrdreg s2  }
0xa9: {  	[dreg:$0x3] =	wrdreg s4  }
0xaa: {  	[dreg:$0x4] =	wrdreg $0xC0  }
0xab: {  	_ =	task [dreg:s6], $0x5FFFF  }
0xac: {  	[dreg:$0x1] =	wrdreg $0xFFFFFFFF  }
0xad: {  	[dreg:$0x0] =	wrdreg $0x60  }
0xae: {  	[dreg:$0x2] =	wrdreg s24  }
0xaf: {  	[dreg:$0x3] =	wrdreg $0x0  }
0xb0: {  	[dreg:$0x4] =	wrdreg $0x9  }
0xb1: {  	_ =	task.clear_ibuf [dreg:s6], $0x5FFFF;
	_ =	strace $0x90000049  }
0xb2: {  	s29 =	simm.s32 $0x9;
	_ =	strace $0x8000004B  }
0xb3: {  	_ =	swait.ge [sflag:s29], $0x1  }
0xb4: {  	[sflag:s29] =	ssyncadd.s32 $0xFFFFFFFF  }
0xb5: {  	_ =	strace $0x9000004B  }
0xb6: {  	_ =	sfence  }
0xb7: {  	s30 =	sld [smem:$0x0];
	_ =	sdelay $0x2  }
0xb8: {  	s31 =	sshll.u32 s1, $0xD;
	s1 =	sshrl.u32 s1, $0x2  }
0xb9: {  	s3 =	sand.u32 $0x4000, s31;
	s1 =	sadd.s32 s1, s30  }
0xba: {  	s0 =	sor.u32 s3, s0;
	s1 =	sshll.u32 s1, $0x11  }
0xbb: {  	s0 =	sor.u32 s1, s0  }
0xbc: {  	s0 =	sadd.s32 $0x8F2B, s0  }
0xbd: {  	[sflag:s0] =	ssyncadd.remote.s32 $0x1  }
0xbe: {  	_ =	sfence.sel $0xFFFF  }
0xbf: {  	[dreg:$0x0] =	wrdreg $0xFFFFFFFF;
	(pc) =	sbr.abs _section_cstart, $3  }
0xc0: {  	[dreg:$0x1] =	wrdreg $0xFFFFFFFF  }
0xc1: {  	_ =	task.clear_ibuf [dreg:s6], $0x2FFFF;
	_ =	strace $0x9FFFFFFF  }
0xc2: {  	(tm) =	ssettm $0x7FFFFFFF  }
0xc3: {  	_ =	shalt  }
tec
execute0_lowered:
.L_overlay_start_1:
0x0: {  	(tag) =	ssettag $0x1  }
0x1: {  	s5 =	rddreg [dreg:$0x0]  }
0x2: {  	s2 =	rddreg [dreg:$0x1]  }
0x3: {  	s0 =	rddreg [dreg:$0x2]  }
0x4: {  	s1 =	stileid.u32;
	s4 =	srdreg.scid;
	s3 =	simm.s32 $0x0  }
0x5: {  	s14 =	simm.s32 $0x5;
	s15 =	simm.s32 $0x1;
	s16 =	simm.s32 $0x50  }
0x6: {  	s17 =	simm.s32 $0x14000;
	s18 =	simm.s32 $0x14100;
	s19 =	simm.s32 $0x2  }
0x7: {  	s20 =	simm.s32 $0x14080;
	s21 =	simm.s32 $0x16900;
	s22 =	simm.s32 $0x3  }
0x8: {  	s23 =	simm.s32 $0x13D00;
	s25 =	simm.s32 $0x13F00;
	s6 =	smul.u32 $0x3E80, s1  }
0x9: {  	s26 =	simm.s32 $0x0;
	s7 =	smul.u32 $0x2780, s1;
	s8 =	sand.u32 $0x1, s4  }
0xa: {  	[smem:$0x7FF] =	sst s3;
	s4 =	sadd.s32 $0x43C00, s5;
	s30 =	smul.u32 $0x4F000, s1  }
0xb: {  	s31 =	sshll.u32 s1, $0x6;
	s9 =	smul.u32 $0x27800, s8;
	_ =	strace $0x8000004A  }
0xc: {  	s28 =	ssub.s32 $0x2, s8;
	s24 =	smul.u32 $0x27100, s8;
	s8 =	sor.u32 $0x1C05, s31  }
0xd: {  	s6 =	sadd.s32 s6, s5;
	s10 =	sadd.s32 s7, s5;
	s29 =	sshrl.u32 s28, $0x1  }
.Ltmp0:
0xe: {  	s7 =	sadd.s32 s7, s9;
	s12 =	ssub.s32 s28, s29;
	(pc) =	sbr.rel .LBB2_1-.Ltmp0, $4  }
0xf: {  	v0 =	vmov s24;
	s24 =	simm.s32 $0x4;
	s11 =	sadd.s32 s7, s5;
	s7 =	sshrl.u32 s30, $0x2  }
0x10: {  	s5 =	sadd.s32 $0x5400, s6;
	s6 =	sadd.s32 $0x5440, s6;
	s13 =	sadd.s32 s7, s2  }
0x11: {  	s7 =	sadd.s32 $0x525C00, s10;
	s9 =	sadd.s32 $0x54D400, s11;
	s10 =	smax.u32 s12, $0x1  }
0x12: {  	s11 =	simm.s32 $0x13C00;
	s12 =	simm.s32 $0x13E00;
	s13 =	sshrl.u32 s13, $0x3  }
.LBB2_4:
0x13: {  	_ =	swait.ge [sflag:s24], $0x2800  }
0x14: {  	[sflag:s24] =	ssyncset.done $0x0  }
0x15: {  	[sflag:s24] =	ssyncadd.s32 $0xFFFFD800  }
0x16: {  	[spmem:s2] =	stream.indirect.scatter.add.f32 [tilespmem:s21], [sflag:$0x5], $0x80, s25, s16, $0xb8;
	[tilespmem:$0x19100] =	vst v63  }
0x17: {  	_ =	swait.ge [sflag:s14], $0x2800  }
0x18: {  	s26 =	sadd.s32 $0x1, s26;
	[sflag:s14] =	ssyncset.done $0x0  }
0x19: {  	p0 =	sne.s32 s26, s10;
	[sflag:s14] =	ssyncadd.s32 $0xFFFFD800  }
.Ltmp1:
0x1a: {  	[bflag:$0x0] =	sbarrier.arrive $0xFFFF;
	(pc) =	sbr.rel @!p0 .LBB2_5-.Ltmp1, $4  }
0x1b: {  	[hbm:s9], [sflag:s8] =	dma.local [spmem:s13], $0x2780  }
0x1c: {  	_ =	swait.ge [sflag:s14], $0x2780  }
0x1d: {  	[sflag:s14] =	ssyncset.done $0x0  }
0x1e: {  	[sflag:s14] =	ssyncadd.s32 $0xFFFFD880  }
.LBB2_1:
0x1f: {  	[tilespmem:s11], [sflag:$0x1] =	stream.linear.gather [hbm4b:s5+s3], $0x180, $0x38;
	[tilespmem:$0x19100] =	vst v63  }
0x20: {  	_ = 	snop  }
0x21: {  	[tilespmem:s12], [sflag:$0x2] =	stream.linear.gather [hbm4b:s6+s3], $0x180, $0x38;
	[tilespmem:$0x19100] =	vst v63  }
0x22: {  	[spmem:s13], [sflag:s8] =	dma.local [hbm:s7], $0x2780  }
0x23: {  	_ =	swait.ge [sflag:s14], $0x2780  }
0x24: {  	[sflag:s14] =	ssyncset.done $0x0  }
0x25: {  	[sflag:s14] =	ssyncadd.s32 $0xFFFFD880  }
0x26: {  	[bflag:$0x0] =	sbarrier.arrive $0xFFFF  }
0x27: {  	_ =	swait.ge [sflag:s15], $0x180  }
0x28: {  	[sflag:s15] =	ssyncset.done $0x0  }
0x29: {  	[sflag:s15] =	ssyncadd.s32 $0xFFFFFE80  }
0x2a: {  	v1 =	vld [tilespmem:$0x13C80]  }
0x2b: {  	v2 =	vld [tilespmem:$0x13C00]  }
0x2c: {  	v3 =	vld [tilespmem:$0x13C90]  }
0x2d: {  	v4 =	vld [tilespmem:$0x13C10]  }
0x2e: {  	v5 =	vld [tilespmem:$0x13CA0]  }
0x2f: {  	v6 =	vld [tilespmem:$0x13C20]  }
0x30: {  	v7 =	vld [tilespmem:$0x13CB0]  }
0x31: {  	v8 =	vld [tilespmem:$0x13C30]  }
0x32: {  	v9 =	vld [tilespmem:$0x13CC0]  }
0x33: {  	v10 =	vld [tilespmem:$0x13C40];
	v1 =	vmul.u32 $0x2710, v1  }
0x34: {  	v2 =	vadd.s32 v0, v2;
	v3 =	vmul.u32 $0x2710, v3  }
0x35: {  	v62 =	vmul.u32 $0x2710, v5;
	v1 =	vadd.s32 v1, v2;
	v2 =	vadd.s32 v0, v4  }
0x36: {  	[tilespmem:$0x14000] =	vst v1;
	v1 =	vadd.s32 v3, v2;
	v2 =	vadd.s32 v0, v6;
	v3 =	vmul.u32 $0x2710, v7  }
0x37: {  	v63 =	vmul.u32 $0x2710, v9;
	[tilespmem:$0x14010] =	vst v1;
	v1 =	vadd.s32 v62, v2;
	v2 =	vadd.s32 v0, v8  }
0x38: {  	[tilespmem:$0x14020] =	vst v1;
	v1 =	vadd.s32 v3, v2;
	v2 =	vadd.s32 v0, v10  }
0x39: {  	[tilespmem:$0x14030] =	vst v1;
	v1 =	vadd.s32 v63, v2  }
0x3a: {  	s28 =	simm.s32 $0xFFFFC200;
	[tilespmem:$0x14040] =	vst v1  }
0x3b: {  	[tilespmem:s18], [sflag:$0x3] =	stream.indirect.gather [hbm4b:s4+s16], $0x80, s17, s16, $0xb8;
	[tilespmem:$0x19100] =	vst v63  }
.LBB2_2:
0x3c: {  	_ =	swait.ge [sflag:s19], $0x180  }
0x3d: {  	[sflag:s19] =	ssyncset.done $0x0  }
0x3e: {  	[sflag:s19] =	ssyncadd.s32 $0xFFFFFE80  }
0x3f: {  	v1 =	vld [tilespmem:$0x13E80]  }
0x40: {  	v2 =	vld [tilespmem:$0x13E00]  }
0x41: {  	v3 =	vld [tilespmem:$0x13E90]  }
0x42: {  	v4 =	vld [tilespmem:$0x13E10]  }
0x43: {  	v5 =	vld [tilespmem:$0x13EA0]  }
0x44: {  	v6 =	vld [tilespmem:$0x13E20]  }
0x45: {  	v7 =	vld [tilespmem:$0x13EB0]  }
0x46: {  	v8 =	vld [tilespmem:$0x13E30]  }
0x47: {  	v9 =	vld [tilespmem:$0x13EC0]  }
0x48: {  	v10 =	vld [tilespmem:$0x13E40];
	v1 =	vmul.u32 $0x2710, v1  }
0x49: {  	v2 =	vadd.s32 v0, v2;
	v3 =	vmul.u32 $0x2710, v3  }
0x4a: {  	v62 =	vmul.u32 $0x2710, v5;
	v1 =	vadd.s32 v1, v2;
	v2 =	vadd.s32 v0, v4  }
0x4b: {  	[tilespmem:$0x14080] =	vst v1;
	v1 =	vadd.s32 v3, v2;
	v2 =	vadd.s32 v0, v6;
	v3 =	vmul.u32 $0x2710, v7  }
0x4c: {  	v63 =	vmul.u32 $0x2710, v9;
	[tilespmem:$0x14090] =	vst v1;
	v1 =	vadd.s32 v62, v2;
	v2 =	vadd.s32 v0, v8  }
0x4d: {  	[tilespmem:$0x140A0] =	vst v1;
	v1 =	vadd.s32 v3, v2;
	v2 =	vadd.s32 v0, v10  }
0x4e: {  	[tilespmem:$0x140B0] =	vst v1;
	v1 =	vadd.s32 v63, v2  }
0x4f: {  	[tilespmem:$0x140C0] =	vst v1  }
0x50: {  	[tilespmem:s21], [sflag:$0x4] =	stream.indirect.gather [hbm4b:s4+s16], $0x80, s20, s16, $0xb8;
	[tilespmem:$0x19100] =	vst v63  }
0x51: {  	_ =	swait.ge [sflag:s22], $0x2800  }
0x52: {  	p0 =	seq.s32 s28, $0x0;
	[sflag:s22] =	ssyncset.done $0x0  }
.Ltmp2:
0x53: {  	[sflag:s22] =	ssyncadd.s32 $0xFFFFD800;
	(pc) =	sbr.rel @p0 .LBB2_4-.Ltmp2, $4  }
0x54: {  	[spmem:s2] =	stream.indirect.scatter.add.f32 [tilespmem:s18], [sflag:$0x5], $0x80, s23, s16, $0xb8;
	[tilespmem:$0x19100] =	vst v63  }
0x55: {  	_ =	swait.ge [sflag:s14], $0x2800  }
0x56: {  	[sflag:s14] =	ssyncset.done $0x0  }
0x57: {  	[sflag:s14] =	ssyncadd.s32 $0xFFFFD800  }
0x58: {  	s29 =	sadd.s32 s28, s5  }
0x59: {  	s30 =	sadd.s32 $0x3E80, s29  }
0x5a: {  	[tilespmem:s11], [sflag:$0x1] =	stream.linear.gather [hbm4b:s30+s3], $0x180, $0x38;
	[tilespmem:$0x19100] =	vst v63  }
0x5b: {  	_ =	swait.ge [sflag:s15], $0x180  }
0x5c: {  	[sflag:s15] =	ssyncset.done $0x0  }
0x5d: {  	[sflag:s15] =	ssyncadd.s32 $0xFFFFFE80  }
0x5e: {  	v1 =	vld [tilespmem:$0x13C80]  }
0x5f: {  	v2 =	vld [tilespmem:$0x13C00]  }
0x60: {  	v3 =	vld [tilespmem:$0x13C90]  }
0x61: {  	v4 =	vld [tilespmem:$0x13C10]  }
0x62: {  	v5 =	vld [tilespmem:$0x13CA0]  }
0x63: {  	v6 =	vld [tilespmem:$0x13C20]  }
0x64: {  	v7 =	vld [tilespmem:$0x13CB0]  }
0x65: {  	v8 =	vld [tilespmem:$0x13C30]  }
0x66: {  	v9 =	vld [tilespmem:$0x13CC0]  }
0x67: {  	v10 =	vld [tilespmem:$0x13C40];
	v1 =	vmul.u32 $0x2710, v1  }
0x68: {  	v2 =	vadd.s32 v0, v2;
	v3 =	vmul.u32 $0x2710, v3  }
0x69: {  	v62 =	vmul.u32 $0x2710, v5;
	v1 =	vadd.s32 v1, v2;
	v2 =	vadd.s32 v0, v4  }
0x6a: {  	[tilespmem:$0x14000] =	vst v1;
	v1 =	vadd.s32 v3, v2;
	v2 =	vadd.s32 v0, v6;
	v3 =	vmul.u32 $0x2710, v7  }
0x6b: {  	v63 =	vmul.u32 $0x2710, v9;
	[tilespmem:$0x14010] =	vst v1;
	v1 =	vadd.s32 v62, v2;
	v2 =	vadd.s32 v0, v8  }
0x6c: {  	[tilespmem:$0x14020] =	vst v1;
	v1 =	vadd.s32 v3, v2;
	v2 =	vadd.s32 v0, v10  }
0x6d: {  	[tilespmem:$0x14030] =	vst v1;
	v1 =	vadd.s32 v63, v2  }
0x6e: {  	[tilespmem:$0x14040] =	vst v1  }
0x6f: {  	[tilespmem:s18], [sflag:$0x3] =	stream.indirect.gather [hbm4b:s4+s16], $0x80, s17, s16, $0xb8;
	[tilespmem:$0x19100] =	vst v63  }
0x70: {  	_ =	swait.ge [sflag:s24], $0x2800  }
0x71: {  	[sflag:s24] =	ssyncset.done $0x0  }
0x72: {  	[sflag:s24] =	ssyncadd.s32 $0xFFFFD800  }
0x73: {  	[spmem:s2] =	stream.indirect.scatter.add.f32 [tilespmem:s21], [sflag:$0x5], $0x80, s25, s16, $0xb8;
	[tilespmem:$0x19100] =	vst v63  }
.Ltmp3:
0x74: {  	_ = 	snop;
	(pc) =	sbr.rel .LBB2_2-.Ltmp3, $4  }
0x75: {  	_ =	swait.ge [sflag:s14], $0x2800  }
0x76: {  	[sflag:s14] =	ssyncset.done $0x0  }
0x77: {  	s28 =	sadd.s32 $0x80, s28;
	s29 =	sadd.s32 $0x3EC0, s29;
	[sflag:s14] =	ssyncadd.s32 $0xFFFFD800  }
0x78: {  	[tilespmem:s12], [sflag:$0x2] =	stream.linear.gather [hbm4b:s29+s3], $0x180, $0x38;
	[tilespmem:$0x19100] =	vst v63  }
.LBB2_5:
0x79: {  	_ =	sfence.sel $0x180000  }
0x7a: {  	[bflag:$0x0] =	sbarrier.arrive $0xFFFF  }
0x7b: {  	p0 =	sne.s32 s1, $0x0;
	_ =	strace $0x9000004A  }
0x7c: {  	s0 =	sadd.s32 @!p0 $0x100000, s0;
	[bflag:$0x2] =	sbarrier.arrive $0xFFFF  }
0x7d: {  	[sflag:s0] =	ssyncadd.tile.s32 @!p0 $0x1;
	_ =	shalt  }
.Lfunc_end2:
_tile_overlayer_lowered:
.L_overlay_start_2:
0x7e: {  	(tag) =	ssettag $0x2  }
0x7f: {  	s0 =	rddreg [dreg:$0x0];
	s2 =	stileid.u32  }
0x80: {  	s1 =	rddreg [dreg:$0x1];
	p0 =	sne.s32 s2, $0x0  }
0x81: {  	s3 =	rddreg [dreg:$0x2];
	[bflag:$0x3] =	sbarrier.arrive $0xFFFF;
	s2 =	simm.s32 @!p0 $0x1C05  }
0x82: {  	[timem:s3], [sflag:s2] =	dma.local @!p0 [hbm:s0], s1  }
0x83: {  	s0 =	simm.s32 @!p0 $0x5  }
0x84: {  	_ =	swait.ge @!p0 [sflag:s0], s1  }
0x85: {  	s1 =	ssub.s32 @!p0 $0x0, s1;
	[sflag:s0] =	ssyncset.done @!p0 $0x0  }
0x86: {  	[sflag:s0] =	ssyncadd.s32 @!p0 s1  }
0x87: {  	[bflag:$0x3] =	sbarrier.arrive $0xFFFF  }
0x88: {  	_ =	shalt  }

// kernel: kernel.8.cloned.1.call-start
scs
__scs_entry_jumppad:
0x0: {  	(pc) =	sbr.rel $0x88, $3  }
0x1: {  	(tag) =	ssettag $0x0;
	lr =	simm.s32 $0x1  }
0x2: {  	[smem:$0x3F85] =	sst lr;
	_ =	strace $0xD0000000  }
0x3: {  	_ = 	snop  }
0x4: {  	_ = 	snop  }
0x5: {  	_ = 	snop  }
0x6: {  	_ = 	snop  }
0x7: {  	_ = 	snop  }
__scs_overlays_trampoline_lowered:
0x8: {  	[smem:$0x3F94] =	sst s0  }
0x9: {  	[smem:$0x3F95] =	sst s1  }
0xa: {  	[smem:$0x3F96] =	sst s2  }
0xb: {  	[smem:$0x3F97] =	sst s3  }
0xc: {  	[smem:$0x3F98] =	sst s4  }
0xd: {  	[smem:$0x3F99] =	sst s5  }
0xe: {  	[smem:$0x3F9A] =	sst s6  }
0xf: {  	[smem:$0x3F9B] =	sst s7  }
0x10: {  	[smem:$0x3F9C] =	sst s8  }
0x11: {  	[smem:$0x3F9D] =	sst s9;
	s0 =	simm.s32 @!p0 $0x0  }
0x12: {  	s1 =	sld [smem:$0x3F83];
	s0 =	simm.s32 @p0 $0x1  }
0x13: {  	[smem:$0x3F9E] =	sst s0;
	s0 =	simm.s32 @!p1 $0x0  }
0x14: {  	s2 =	sld [smem:$0x3F82];
	s0 =	simm.s32 @p1 $0x1  }
0x15: {  	[smem:$0x3F9F] =	sst s0;
	s0 =	simm.s32 @!p2 $0x0  }
0x16: {  	s3 =	sld [smem:$0x3FDB];
	s0 =	simm.s32 @p2 $0x1  }
0x17: {  	s4 =	simm.s32 $0x1BF5;
	[smem:$0x3FA1] =	sst s0  }
0x18: {  	s0 =	sld [smem:$0x3F84];
	_ =	swait.ge [sflag:s4], $0x0  }
0x19: {  	s7 =	sld [smem:$0x3F85]  }
0x1a: {  	s8 =	sadd.s32 $0xFFFFE003, lr  }
0x1b: {  	s9 =	sadd.s32 $0xFFFFFEF7, lr;
	s5 =	simm.s32 $0xFFFFFFFF;
	p2 =	slt.u32 s8, $0xFFFFF086  }
0x1c: {  	p1 =	slt.u32 s9, $0xF7A;
	s5 =	simm.s32 @!p2 $0x0  }
0x1d: {  	s5 =	simm.s32 @p1 $0x1;
	p0 =	seq.s32 s7, s2  }
0x1e: {  	s7 =	smul.u32 @!p0 $0xF7A, s2;
	p2 =	seq.s32 @!p0 s5, $0x0  }
0x1f: {  	s9 =	smul.u32 $0xF7A, s1;
	s8 =	simm.s32 @!p0 $0x1BF5;
	p2 =	por !p2, p0  }
0x20: {  	[sflag:s8] =	ssyncset.s32 @!p0 $0xFFFFF086;
	s6 =	sadd.s32 @!p0 s3, s7;
	s7 =	simm.s32 @!p0 $0x108  }
0x21: {  	s3 =	sadd.s32 s3, s9;
	s6 =	sadd.s32 @!p0 $0x88, s6;
	s7 =	simm.s32 @p2 $0x1082  }
0x22: {  	[simem:s7], [sflag:s8] =	dma.local @!p0 [hbm:s6], $0xF7A  }
0x23: {  	s9 =	sor.u32 $0xD0000000, s2;
	s6 =	simm.s32 $0x108;
	_ =	swait.ge @!p0 [sflag:s8], $0x0  }
0x24: {  	s3 =	sadd.s32 $0x88, s3;
	s6 =	simm.s32 @!p1 $0x1082;
	[sflag:s4] =	ssyncset.s32 $0xFFFFF086  }
0x25: {  	[simem:s6], [sflag:s4] =	dma.local [hbm:s3], $0xF7A  }
0x26: {  	[smem:$0x3F85] =	sst s1;
	(tag) =	ssettag s2;
	_ =	strace s9  }
0x27: {  	s1 =	sld [smem:$0x3F95]  }
0x28: {  	s2 =	sld [smem:$0x3F96]  }
0x29: {  	s4 =	sld [smem:$0x3F98]  }
0x2a: {  	p0 =	seq.s32 s5, $0x0;
	s5 =	sld [smem:$0x3F99]  }
0x2b: {  	s6 =	sld [smem:$0x3F9A]  }
0x2c: {  	s7 =	sld [smem:$0x3F9B]  }
0x2d: {  	s3 =	simm.s32 $0x108;
	s8 =	sld [smem:$0x3F9C]  }
0x2e: {  	s3 =	simm.s32 @!p0 $0x1082;
	s9 =	sld [smem:$0x3F9D]  }
0x2f: {  	lr =	sadd.s32 s0, s3;
	s0 =	sld [smem:$0x3F94]  }
0x30: {  	s3 =	sld [smem:$0x3F97]  }
0x31: {  	[smem:$0x3FA0] =	sst s10  }
0x32: {  	s10 =	sld [smem:$0x3F9E];
	_ =	sdelay $0x3  }
0x33: {  	p0 =	seq.s32 s10, $0x1;
	s10 =	sld [smem:$0x3FA0];
	_ =	sdelay $0x3  }
0x34: {  	[smem:$0x3FA0] =	sst s10  }
0x35: {  	s10 =	sld [smem:$0x3F9F];
	_ =	sdelay $0x3  }
0x36: {  	p1 =	seq.s32 s10, $0x1;
	s10 =	sld [smem:$0x3FA0];
	_ =	sdelay $0x3  }
0x37: {  	[smem:$0x3FA0] =	sst s10  }
0x38: {  	s10 =	sld [smem:$0x3FA1]  }
0x39: {  	_ = 	snop;
	(pc) =	sbr.ind lr, $3  }
0x3a: {  	_ = 	snop  }
0x3b: {  	_ = 	snop  }
0x3c: {  	p2 =	seq.s32 s10, $0x1;
	s10 =	sld [smem:$0x3FA0]  }
0x3d: {  	_ =	shalt  }
0x3e: {  	_ =	shalt  }
0x3f: {  	_ =	shalt  }
0x40: {  	_ =	shalt  }
0x41: {  	_ =	shalt  }
0x42: {  	_ =	shalt  }
0x43: {  	_ =	shalt  }
0x44: {  	_ =	shalt  }
0x45: {  	_ =	shalt  }
0x46: {  	_ =	shalt  }
0x47: {  	_ =	shalt  }
0x48: {  	_ =	shalt  }
0x49: {  	_ =	shalt  }
0x4a: {  	_ =	shalt  }
0x4b: {  	_ =	shalt  }
0x4c: {  	_ =	shalt  }
0x4d: {  	_ =	shalt  }
0x4e: {  	_ =	shalt  }
0x4f: {  	_ =	shalt  }
0x50: {  	_ =	shalt  }
0x51: {  	_ =	shalt  }
0x52: {  	_ =	shalt  }
0x53: {  	_ =	shalt  }
0x54: {  	_ =	shalt  }
0x55: {  	_ =	shalt  }
0x56: {  	_ =	shalt  }
0x57: {  	_ =	shalt  }
0x58: {  	_ =	shalt  }
0x59: {  	_ =	shalt  }
0x5a: {  	_ =	shalt  }
0x5b: {  	_ =	shalt  }
0x5c: {  	_ =	shalt  }
0x5d: {  	_ =	shalt  }
0x5e: {  	_ =	shalt  }
0x5f: {  	_ =	shalt  }
0x60: {  	_ =	shalt  }
0x61: {  	_ =	shalt  }
0x62: {  	_ =	shalt  }
0x63: {  	_ =	shalt  }
0x64: {  	_ =	shalt  }
0x65: {  	_ =	shalt  }
0x66: {  	_ =	shalt  }
0x67: {  	_ =	shalt  }
0x68: {  	_ =	shalt  }
0x69: {  	_ =	shalt  }
0x6a: {  	_ =	shalt  }
0x6b: {  	_ =	shalt  }
0x6c: {  	_ =	shalt  }
0x6d: {  	_ =	shalt  }
0x6e: {  	_ =	shalt  }
0x6f: {  	_ =	shalt  }
0x70: {  	_ =	shalt  }
0x71: {  	_ =	shalt  }
0x72: {  	_ =	shalt  }
0x73: {  	_ =	shalt  }
0x74: {  	_ =	shalt  }
0x75: {  	_ =	shalt  }
0x76: {  	_ =	shalt  }
0x77: {  	_ =	shalt  }
0x78: {  	_ =	shalt  }
0x79: {  	_ =	shalt  }
0x7a: {  	_ =	shalt  }
0x7b: {  	_ =	shalt  }
0x7c: {  	_ =	shalt  }
0x7d: {  	_ =	shalt  }
0x7e: {  	_ =	shalt  }
0x7f: {  	_ =	shalt  }
0x80: {  	_ =	shalt  }
0x81: {  	_ =	shalt  }
0x82: {  	_ =	shalt  }
0x83: {  	_ =	shalt  }
0x84: {  	_ =	shalt  }
0x85: {  	_ =	shalt  }
0x86: {  	_ =	shalt  }
0x87: {  	_ =	shalt  }
.Lfunc_end0:
.L_simem_size_0:
called_computation_lowered:
.L_overlay_start_0:
0x88: {  	s2 =	sld [smem:$0x3FD9]  }
0x89: {  	s3 =	sld [smem:$0x3FFE];
	_ =	sdelay $0x1  }
0x8a: {  	s1 =	srdreg.scid  }
0x8b: {  	s0 =	sand.u32 $0x1, s1  }
0x8c: {  	s16 =	sshll.u32 s0, $0xA;
	s2 =	sadd.s32 s3, s2  }
0x8d: {  	s2 =	sadd.s32 s2, s16  }
0x8e: {  	[smem:$0x3FAC] =	sst s2  }
0x8f: {  	_ = 	snop  }
0x90: {  	(tm) =	ssettm $0x1  }
0x91: {  	s17 =	sld [smem:$0x3FFB];
	_ =	sdelay $0x3  }
0x92: {  	_ =	strace s17  }
0x93: {  	s2 =	sld [smem:$0x3FFC];
	_ =	sdelay $0x3  }
0x94: {  	_ =	strace s2  }
0x95: {  	s2 =	sld [smem:$0x3FFD];
	_ =	sdelay $0x3  }
0x96: {  	_ =	strace s2  }
0x97: {  	_ =	strace $0x8FFFFFFF  }
0x98: {  	s18 =	sld [smem:$0x3FDB];
	_ =	sdelay $0x1  }
0x99: {  	s19 =	simm.s32 $_scs_section_size  }
0x9a: {  	s4 =	simm.s32 $_size__tile_overlayer_lowered;
	s5 =	simm.s32 $_tile_overlayer_lowered  }
0x9b: {  	s22 =	simm.s32 $0x1BFF;
	s21 =	sshll.u32 s5, $0x1;
	s2 =	sadd.s32 s19, s18  }
0x9c: {  	s6 =	simm.s32 $0x0;
	s20 =	sshll.u32 s4, $0x1;
	s4 =	sadd.s32 s21, s2  }
0x9d: {  	[timem:s6], [sflag:s22] =	dma.local [hbm:s4], s20  }
0x9e: {  	_ =	swait.ge [sflag:s22], s20  }
0x9f: {  	s3 =	ssub.s32 $0x0, s20;
	[sflag:s22] =	ssyncset.done $0x0  }
0xa0: {  	[sflag:s22] =	ssyncadd.s32 s3;
	_ =	sdelay $0x1  }
0xa1: {  	s23 =	simm.s32 $0x1B8B  }
0xa2: {  	_ =	swait.ge [sflag:s23], $0x1  }
0xa3: {  	[sflag:s23] =	ssyncset.done $0x0  }
0xa4: {  	s25 =	simm.s32 $0x1B8E;
	s24 =	sld [smem:$0x3FFE];
	[sflag:s23] =	ssyncadd.s32 $0xFFFFFFFF  }
0xa5: {  	s26 =	simm.s32 $execute0_lowered;
	[smem:$0x3FD2] =	sst s25  }
0xa6: {  	s4 =	sshll.u32 s26, $0x1;
	_ =	strace $0x80000046;
	[dreg:$0x1] =	wrdreg $0xFFFFFFFF  }
0xa7: {  	s28 =	simm.s32 $_size_execute0_lowered;
	s2 =	sadd.s32 s2, s4;
	[dreg:$0x0] =	wrdreg $0x0  }
0xa8: {  	s4 =	sshll.u32 s28, $0x1;
	[dreg:$0x2] =	wrdreg s2  }
0xa9: {  	[dreg:$0x3] =	wrdreg s4  }
0xaa: {  	[dreg:$0x4] =	wrdreg $0xC0  }
0xab: {  	_ =	task [dreg:s6], $0x5FFFF  }
0xac: {  	[dreg:$0x1] =	wrdreg $0xFFFFFFFF  }
0xad: {  	[dreg:$0x0] =	wrdreg $0x60  }
0xae: {  	[dreg:$0x2] =	wrdreg s24  }
0xaf: {  	[dreg:$0x3] =	wrdreg $0x0  }
0xb0: {  	[dreg:$0x4] =	wrdreg $0x9  }
0xb1: {  	_ =	task.clear_ibuf [dreg:s6], $0x5FFFF;
	_ =	strace $0x90000046  }
0xb2: {  	s29 =	simm.s32 $0x9;
	_ =	strace $0x80000048  }
0xb3: {  	_ =	swait.ge [sflag:s29], $0x1  }
0xb4: {  	[sflag:s29] =	ssyncadd.s32 $0xFFFFFFFF  }
0xb5: {  	_ =	strace $0x90000048  }
0xb6: {  	_ =	sfence  }
0xb7: {  	s30 =	sld [smem:$0x0];
	_ =	sdelay $0x2  }
0xb8: {  	s31 =	sshll.u32 s1, $0xD;
	s1 =	sshrl.u32 s1, $0x2  }
0xb9: {  	s3 =	sand.u32 $0x4000, s31;
	s1 =	sadd.s32 s1, s30  }
0xba: {  	s0 =	sor.u32 s3, s0;
	s1 =	sshll.u32 s1, $0x11  }
0xbb: {  	s0 =	sor.u32 s1, s0  }
0xbc: {  	s0 =	sadd.s32 $0x8F2B, s0  }
0xbd: {  	[sflag:s0] =	ssyncadd.remote.s32 $0x1  }
0xbe: {  	_ =	sfence.sel $0xFFFF  }
0xbf: {  	[dreg:$0x0] =	wrdreg $0xFFFFFFFF;
	(pc) =	sbr.abs _section_cstart, $3  }
0xc0: {  	[dreg:$0x1] =	wrdreg $0xFFFFFFFF  }
0xc1: {  	_ =	task.clear_ibuf [dreg:s6], $0x2FFFF;
	_ =	strace $0x9FFFFFFF  }
0xc2: {  	(tm) =	ssettm $0x7FFFFFFF  }
0xc3: {  	_ =	shalt  }
tec
execute0_lowered:
.L_overlay_start_1:
0x0: {  	(tag) =	ssettag $0x1  }
0x1: {  	s5 =	rddreg [dreg:$0x0]  }
0x2: {  	s2 =	rddreg [dreg:$0x1]  }
0x3: {  	s0 =	rddreg [dreg:$0x2]  }
0x4: {  	s1 =	stileid.u32;
	s4 =	srdreg.scid;
	s3 =	simm.s32 $0x0  }
0x5: {  	s14 =	simm.s32 $0x5;
	s15 =	simm.s32 $0x1;
	s16 =	simm.s32 $0x50  }
0x6: {  	s17 =	simm.s32 $0x14000;
	s18 =	simm.s32 $0x14100;
	s19 =	simm.s32 $0x2  }
0x7: {  	s20 =	simm.s32 $0x14080;
	s21 =	simm.s32 $0x16900;
	s22 =	simm.s32 $0x3  }
0x8: {  	s23 =	simm.s32 $0x13D00;
	s25 =	simm.s32 $0x13F00;
	s6 =	smul.u32 $0x3E80, s1  }
0x9: {  	s26 =	simm.s32 $0x0;
	s7 =	smul.u32 $0x2780, s1;
	s8 =	sand.u32 $0x1, s4  }
0xa: {  	[smem:$0x7FF] =	sst s3;
	s4 =	sadd.s32 $0x43C00, s5;
	s30 =	smul.u32 $0x4F000, s1  }
0xb: {  	s31 =	sshll.u32 s1, $0x6;
	s9 =	smul.u32 $0x27800, s8;
	_ =	strace $0x80000047  }
0xc: {  	s28 =	ssub.s32 $0x2, s8;
	s24 =	smul.u32 $0x27100, s8;
	s8 =	sor.u32 $0x1C05, s31  }
0xd: {  	s6 =	sadd.s32 s6, s5;
	s10 =	sadd.s32 s7, s5;
	s29 =	sshrl.u32 s28, $0x1  }
.Ltmp0:
0xe: {  	s7 =	sadd.s32 s7, s9;
	s12 =	ssub.s32 s28, s29;
	(pc) =	sbr.rel .LBB2_1-.Ltmp0, $4  }
0xf: {  	v0 =	vmov s24;
	s24 =	simm.s32 $0x4;
	s11 =	sadd.s32 s7, s5;
	s7 =	sshrl.u32 s30, $0x2  }
0x10: {  	s5 =	sadd.s32 $0x5400, s6;
	s6 =	sadd.s32 $0x5440, s6;
	s13 =	sadd.s32 s7, s2  }
0x11: {  	s7 =	sadd.s32 $0x525C00, s10;
	s9 =	sadd.s32 $0x54D400, s11;
	s10 =	smax.u32 s12, $0x1  }
0x12: {  	s11 =	simm.s32 $0x13C00;
	s12 =	simm.s32 $0x13E00;
	s13 =	sshrl.u32 s13, $0x3  }
.LBB2_4:
0x13: {  	_ =	swait.ge [sflag:s24], $0x2800  }
0x14: {  	[sflag:s24] =	ssyncset.done $0x0  }
0x15: {  	[sflag:s24] =	ssyncadd.s32 $0xFFFFD800  }
0x16: {  	[spmem:s2] =	stream.indirect.scatter.add.f32 [tilespmem:s21], [sflag:$0x5], $0x80, s25, s16, $0xb8;
	[tilespmem:$0x19100] =	vst v63  }
0x17: {  	_ =	swait.ge [sflag:s14], $0x2800  }
0x18: {  	s26 =	sadd.s32 $0x1, s26;
	[sflag:s14] =	ssyncset.done $0x0  }
0x19: {  	p0 =	sne.s32 s26, s10;
	[sflag:s14] =	ssyncadd.s32 $0xFFFFD800  }
.Ltmp1:
0x1a: {  	[bflag:$0x0] =	sbarrier.arrive $0xFFFF;
	(pc) =	sbr.rel @!p0 .LBB2_5-.Ltmp1, $4  }
0x1b: {  	[hbm:s9], [sflag:s8] =	dma.local [spmem:s13], $0x2780  }
0x1c: {  	_ =	swait.ge [sflag:s14], $0x2780  }
0x1d: {  	[sflag:s14] =	ssyncset.done $0x0  }
0x1e: {  	[sflag:s14] =	ssyncadd.s32 $0xFFFFD880  }
.LBB2_1:
0x1f: {  	[tilespmem:s11], [sflag:$0x1] =	stream.linear.gather [hbm4b:s5+s3], $0x180, $0x38;
	[tilespmem:$0x19100] =	vst v63  }
0x20: {  	_ = 	snop  }
0x21: {  	[tilespmem:s12], [sflag:$0x2] =	stream.linear.gather [hbm4b:s6+s3], $0x180, $0x38;
	[tilespmem:$0x19100] =	vst v63  }
0x22: {  	[spmem:s13], [sflag:s8] =	dma.local [hbm:s7], $0x2780  }
0x23: {  	_ =	swait.ge [sflag:s14], $0x2780  }
0x24: {  	[sflag:s14] =	ssyncset.done $0x0  }
0x25: {  	[sflag:s14] =	ssyncadd.s32 $0xFFFFD880  }
0x26: {  	[bflag:$0x0] =	sbarrier.arrive $0xFFFF  }
0x27: {  	_ =	swait.ge [sflag:s15], $0x180  }
0x28: {  	[sflag:s15] =	ssyncset.done $0x0  }
0x29: {  	[sflag:s15] =	ssyncadd.s32 $0xFFFFFE80  }
0x2a: {  	v1 =	vld [tilespmem:$0x13C80]  }
0x2b: {  	v2 =	vld [tilespmem:$0x13C00]  }
0x2c: {  	v3 =	vld [tilespmem:$0x13C90]  }
0x2d: {  	v4 =	vld [tilespmem:$0x13C10]  }
0x2e: {  	v5 =	vld [tilespmem:$0x13CA0]  }
0x2f: {  	v6 =	vld [tilespmem:$0x13C20]  }
0x30: {  	v7 =	vld [tilespmem:$0x13CB0]  }
0x31: {  	v8 =	vld [tilespmem:$0x13C30]  }
0x32: {  	v9 =	vld [tilespmem:$0x13CC0]  }
0x33: {  	v10 =	vld [tilespmem:$0x13C40];
	v1 =	vmul.u32 $0x2710, v1  }
0x34: {  	v2 =	vadd.s32 v0, v2;
	v3 =	vmul.u32 $0x2710, v3  }
0x35: {  	v62 =	vmul.u32 $0x2710, v5;
	v1 =	vadd.s32 v1, v2;
	v2 =	vadd.s32 v0, v4  }
0x36: {  	[tilespmem:$0x14000] =	vst v1;
	v1 =	vadd.s32 v3, v2;
	v2 =	vadd.s32 v0, v6;
	v3 =	vmul.u32 $0x2710, v7  }
0x37: {  	v63 =	vmul.u32 $0x2710, v9;
	[tilespmem:$0x14010] =	vst v1;
	v1 =	vadd.s32 v62, v2;
	v2 =	vadd.s32 v0, v8  }
0x38: {  	[tilespmem:$0x14020] =	vst v1;
	v1 =	vadd.s32 v3, v2;
	v2 =	vadd.s32 v0, v10  }
0x39: {  	[tilespmem:$0x14030] =	vst v1;
	v1 =	vadd.s32 v63, v2  }
0x3a: {  	s28 =	simm.s32 $0xFFFFC200;
	[tilespmem:$0x14040] =	vst v1  }
0x3b: {  	[tilespmem:s18], [sflag:$0x3] =	stream.indirect.gather [hbm4b:s4+s16], $0x80, s17, s16, $0xb8;
	[tilespmem:$0x19100] =	vst v63  }
.LBB2_2:
0x3c: {  	_ =	swait.ge [sflag:s19], $0x180  }
0x3d: {  	[sflag:s19] =	ssyncset.done $0x0  }
0x3e: {  	[sflag:s19] =	ssyncadd.s32 $0xFFFFFE80  }
0x3f: {  	v1 =	vld [tilespmem:$0x13E80]  }
0x40: {  	v2 =	vld [tilespmem:$0x13E00]  }
0x41: {  	v3 =	vld [tilespmem:$0x13E90]  }
0x42: {  	v4 =	vld [tilespmem:$0x13E10]  }
0x43: {  	v5 =	vld [tilespmem:$0x13EA0]  }
0x44: {  	v6 =	vld [tilespmem:$0x13E20]  }
0x45: {  	v7 =	vld [tilespmem:$0x13EB0]  }
0x46: {  	v8 =	vld [tilespmem:$0x13E30]  }
0x47: {  	v9 =	vld [tilespmem:$0x13EC0]  }
0x48: {  	v10 =	vld [tilespmem:$0x13E40];
	v1 =	vmul.u32 $0x2710, v1  }
0x49: {  	v2 =	vadd.s32 v0, v2;
	v3 =	vmul.u32 $0x2710, v3  }
0x4a: {  	v62 =	vmul.u32 $0x2710, v5;
	v1 =	vadd.s32 v1, v2;
	v2 =	vadd.s32 v0, v4  }
0x4b: {  	[tilespmem:$0x14080] =	vst v1;
	v1 =	vadd.s32 v3, v2;
	v2 =	vadd.s32 v0, v6;
	v3 =	vmul.u32 $0x2710, v7  }
0x4c: {  	v63 =	vmul.u32 $0x2710, v9;
	[tilespmem:$0x14090] =	vst v1;
	v1 =	vadd.s32 v62, v2;
	v2 =	vadd.s32 v0, v8  }
0x4d: {  	[tilespmem:$0x140A0] =	vst v1;
	v1 =	vadd.s32 v3, v2;
	v2 =	vadd.s32 v0, v10  }
0x4e: {  	[tilespmem:$0x140B0] =	vst v1;
	v1 =	vadd.s32 v63, v2  }
0x4f: {  	[tilespmem:$0x140C0] =	vst v1  }
0x50: {  	[tilespmem:s21], [sflag:$0x4] =	stream.indirect.gather [hbm4b:s4+s16], $0x80, s20, s16, $0xb8;
	[tilespmem:$0x19100] =	vst v63  }
0x51: {  	_ =	swait.ge [sflag:s22], $0x2800  }
0x52: {  	p0 =	seq.s32 s28, $0x0;
	[sflag:s22] =	ssyncset.done $0x0  }
.Ltmp2:
0x53: {  	[sflag:s22] =	ssyncadd.s32 $0xFFFFD800;
	(pc) =	sbr.rel @p0 .LBB2_4-.Ltmp2, $4  }
0x54: {  	[spmem:s2] =	stream.indirect.scatter.add.f32 [tilespmem:s18], [sflag:$0x5], $0x80, s23, s16, $0xb8;
	[tilespmem:$0x19100] =	vst v63  }
0x55: {  	_ =	swait.ge [sflag:s14], $0x2800  }
0x56: {  	[sflag:s14] =	ssyncset.done $0x0  }
0x57: {  	[sflag:s14] =	ssyncadd.s32 $0xFFFFD800  }
0x58: {  	s29 =	sadd.s32 s28, s5  }
0x59: {  	s30 =	sadd.s32 $0x3E80, s29  }
0x5a: {  	[tilespmem:s11], [sflag:$0x1] =	stream.linear.gather [hbm4b:s30+s3], $0x180, $0x38;
	[tilespmem:$0x19100] =	vst v63  }
0x5b: {  	_ =	swait.ge [sflag:s15], $0x180  }
0x5c: {  	[sflag:s15] =	ssyncset.done $0x0  }
0x5d: {  	[sflag:s15] =	ssyncadd.s32 $0xFFFFFE80  }
0x5e: {  	v1 =	vld [tilespmem:$0x13C80]  }
0x5f: {  	v2 =	vld [tilespmem:$0x13C00]  }
0x60: {  	v3 =	vld [tilespmem:$0x13C90]  }
0x61: {  	v4 =	vld [tilespmem:$0x13C10]  }
0x62: {  	v5 =	vld [tilespmem:$0x13CA0]  }
0x63: {  	v6 =	vld [tilespmem:$0x13C20]  }
0x64: {  	v7 =	vld [tilespmem:$0x13CB0]  }
0x65: {  	v8 =	vld [tilespmem:$0x13C30]  }
0x66: {  	v9 =	vld [tilespmem:$0x13CC0]  }
0x67: {  	v10 =	vld [tilespmem:$0x13C40];
	v1 =	vmul.u32 $0x2710, v1  }
0x68: {  	v2 =	vadd.s32 v0, v2;
	v3 =	vmul.u32 $0x2710, v3  }
0x69: {  	v62 =	vmul.u32 $0x2710, v5;
	v1 =	vadd.s32 v1, v2;
	v2 =	vadd.s32 v0, v4  }
0x6a: {  	[tilespmem:$0x14000] =	vst v1;
	v1 =	vadd.s32 v3, v2;
	v2 =	vadd.s32 v0, v6;
	v3 =	vmul.u32 $0x2710, v7  }
0x6b: {  	v63 =	vmul.u32 $0x2710, v9;
	[tilespmem:$0x14010] =	vst v1;
	v1 =	vadd.s32 v62, v2;
	v2 =	vadd.s32 v0, v8  }
0x6c: {  	[tilespmem:$0x14020] =	vst v1;
	v1 =	vadd.s32 v3, v2;
	v2 =	vadd.s32 v0, v10  }
0x6d: {  	[tilespmem:$0x14030] =	vst v1;
	v1 =	vadd.s32 v63, v2  }
0x6e: {  	[tilespmem:$0x14040] =	vst v1  }
0x6f: {  	[tilespmem:s18], [sflag:$0x3] =	stream.indirect.gather [hbm4b:s4+s16], $0x80, s17, s16, $0xb8;
	[tilespmem:$0x19100] =	vst v63  }
0x70: {  	_ =	swait.ge [sflag:s24], $0x2800  }
0x71: {  	[sflag:s24] =	ssyncset.done $0x0  }
0x72: {  	[sflag:s24] =	ssyncadd.s32 $0xFFFFD800  }
0x73: {  	[spmem:s2] =	stream.indirect.scatter.add.f32 [tilespmem:s21], [sflag:$0x5], $0x80, s25, s16, $0xb8;
	[tilespmem:$0x19100] =	vst v63  }
.Ltmp3:
0x74: {  	_ = 	snop;
	(pc) =	sbr.rel .LBB2_2-.Ltmp3, $4  }
0x75: {  	_ =	swait.ge [sflag:s14], $0x2800  }
0x76: {  	[sflag:s14] =	ssyncset.done $0x0  }
0x77: {  	s28 =	sadd.s32 $0x80, s28;
	s29 =	sadd.s32 $0x3EC0, s29;
	[sflag:s14] =	ssyncadd.s32 $0xFFFFD800  }
0x78: {  	[tilespmem:s12], [sflag:$0x2] =	stream.linear.gather [hbm4b:s29+s3], $0x180, $0x38;
	[tilespmem:$0x19100] =	vst v63  }
.LBB2_5:
0x79: {  	_ =	sfence.sel $0x180000  }
0x7a: {  	[bflag:$0x0] =	sbarrier.arrive $0xFFFF  }
0x7b: {  	p0 =	sne.s32 s1, $0x0;
	_ =	strace $0x90000047  }
0x7c: {  	s0 =	sadd.s32 @!p0 $0x100000, s0;
	[bflag:$0x2] =	sbarrier.arrive $0xFFFF  }
0x7d: {  	[sflag:s0] =	ssyncadd.tile.s32 @!p0 $0x1;
	_ =	shalt  }
.Lfunc_end2:
_tile_overlayer_lowered:
.L_overlay_start_2:
0x7e: {  	(tag) =	ssettag $0x2  }
0x7f: {  	s0 =	rddreg [dreg:$0x0];
	s2 =	stileid.u32  }
0x80: {  	s1 =	rddreg [dreg:$0x1];
	p0 =	sne.s32 s2, $0x0  }
0x81: {  	s3 =	rddreg [dreg:$0x2];
	[bflag:$0x3] =	sbarrier.arrive $0xFFFF;
	s2 =	simm.s32 @!p0 $0x1C05  }
0x82: {  	[timem:s3], [sflag:s2] =	dma.local @!p0 [hbm:s0], s1  }
0x83: {  	s0 =	simm.s32 @!p0 $0x5  }
0x84: {  	_ =	swait.ge @!p0 [sflag:s0], s1  }
0x85: {  	s1 =	ssub.s32 @!p0 $0x0, s1;
	[sflag:s0] =	ssyncset.done @!p0 $0x0  }
0x86: {  	[sflag:s0] =	ssyncadd.s32 @!p0 s1  }
0x87: {  	[bflag:$0x3] =	sbarrier.arrive $0xFFFF  }
0x88: {  	_ =	shalt  }

</sc_bundles>
